<compile_context>
chip_gen: v7x
topology: tpu7x:2x2x1
jax: 0.10.2.dev20260603
libtpu: 0.0.44.dev20260713+nightly
codegen_flags: <defaults>
</compile_context>

<pallas_src>
import jax
import jax.numpy as jnp
from jax import lax
from jax.experimental import pallas as pl
from jax.experimental.pallas import tpu as pltpu
from jax.experimental.pallas import tpu_sc as plsc

N_NODES = 10000
D_IN = 128
D_OUT = 32
D_CAT = 2 * D_OUT
N_EDGES = 320000

NC = 2
NS = 16
NW = NC * NS

EPT = N_EDGES // NW
BB = 128
NBF = EPT // BB
TAIL = EPT - NBF * BB
NBUF = 3

ACC_ROWS = N_NODES + 16
ROWS_PER_TILE = N_NODES // NS
ZCHUNK = 125

DEG_ROWS = 10240
DEG_PER_TILE = DEG_ROWS // NS

_mesh = plsc.VectorSubcoreMesh(
    core_axis_name="c", subcore_axis_name="s", num_cores=NC, num_subcores=NS
)

_sc_params = pltpu.CompilerParams(use_tc_tiling_on_sc=False)


NDSEM = 6


def _deg_body(edge_hbm, z_hbm, ones_hbm, degp_hbm, idx_v, zb_v, ones_v, *rest):
    dsem = rest[:NDSEM]
    deg_sp = rest[NDSEM]
    c = lax.axis_index("c")
    s = lax.axis_index("s")
    w = c * NS + s
    pltpu.sync_copy(edge_hbm.at[1, pl.ds(w * EPT, EPT)], idx_v)
    pltpu.sync_copy(z_hbm, zb_v)
    pltpu.sync_copy(ones_hbm, ones_v)
    pltpu.sync_copy(zb_v.at[pl.ds(0, DEG_PER_TILE)],
                    deg_sp.at[pl.ds(s * DEG_PER_TILE, DEG_PER_TILE)])
    plsc.subcore_barrier()

    def flight(u, carry):
        descs = []
        for b in range(NDSEM):
            j = u * NDSEM + b
            descs.append(pltpu.async_copy(
                ones_v, deg_sp.at[idx_v.at[pl.ds(j * BB, BB)]], dsem[b], add=True))
        for d in descs:
            d.wait()
        return carry

    lax.fori_loop(0, NBF // NDSEM, flight, 0)
    pltpu.sync_copy(ones_v.at[pl.ds(0, TAIL)],
                    deg_sp.at[idx_v.at[pl.ds(NBF * BB, TAIL)]], add=True)
    plsc.subcore_barrier()
    pltpu.sync_copy(deg_sp.at[pl.ds(s * DEG_PER_TILE, DEG_PER_TILE)], zb_v)
    pltpu.sync_copy(zb_v, degp_hbm.at[c, pl.ds(s * DEG_PER_TILE, DEG_PER_TILE)])


_deg_kernel = pl.kernel(
    _deg_body,
    out_type=jax.ShapeDtypeStruct((NC, DEG_ROWS), jnp.float32),
    mesh=_mesh,
    scratch_types=[
        pltpu.VMEM((EPT,), jnp.int32),
        pltpu.VMEM((DEG_PER_TILE,), jnp.float32),
        pltpu.VMEM((BB,), jnp.float32),
        *[pltpu.SemaphoreType.DMA for _ in range(NDSEM)],
        pltpu.VMEM_SHARED((DEG_ROWS,), jnp.float32),
    ],
    compiler_params=_sc_params,
)


def _pre_body(x_ref, w_ref, degp_ref, g_ref):
    dp = degp_ref[...]
    deg = dp[:, 0] + dp[:, 1] + 1.0
    dinv = lax.rsqrt(deg)
    h = jnp.dot(x_ref[...], w_ref[...], preferred_element_type=jnp.float32)
    g_ref[...] = h * dinv[:, None]


def _pre(x, w_cat, degp):
    blk = 2000
    return pl.pallas_call(
        _pre_body,
        grid=(N_NODES // blk,),
        in_specs=[
            pl.BlockSpec((blk, D_IN), lambda i: (i, 0)),
            pl.BlockSpec((D_IN, D_CAT), lambda i: (0, 0)),
            pl.BlockSpec((blk, NC), lambda i: (i, 0)),
        ],
        out_specs=pl.BlockSpec((blk, D_CAT), lambda i: (i, 0)),
        out_shape=jax.ShapeDtypeStruct((N_NODES, D_CAT), jnp.float32),
    )(x, w_cat, degp)


def _segsum_body(edge_hbm, g_hbm, z_hbm, accp_hbm, sidx_v, didx_v, *rest):
    rows = rest[:NBUF]
    gsem = rest[NBUF:2 * NBUF]
    ssem = rest[2 * NBUF:3 * NBUF]
    acc_sp = rest[3 * NBUF]
    g_sp = rest[3 * NBUF + 1]
    c = lax.axis_index("c")
    s = lax.axis_index("s")
    w = c * NS + s
    pltpu.sync_copy(edge_hbm.at[0, pl.ds(w * EPT, EPT)], sidx_v)
    pltpu.sync_copy(edge_hbm.at[1, pl.ds(w * EPT, EPT)], didx_v)
    base = s * ROWS_PER_TILE
    pltpu.sync_copy(g_hbm.at[pl.ds(base, ROWS_PER_TILE)],
                    g_sp.at[pl.ds(base, ROWS_PER_TILE)])
    pltpu.sync_copy(z_hbm, rows[0].at[pl.ds(0, ZCHUNK)])
    for r in range(ROWS_PER_TILE // ZCHUNK):
        pltpu.sync_copy(rows[0].at[pl.ds(0, ZCHUNK)],
                        acc_sp.at[pl.ds(base + r * ZCHUNK, ZCHUNK)])
    plsc.subcore_barrier()

    def gsrc(b):
        return g_sp if b == 0 else g_hbm

    for b in range(NBUF):
        pltpu.async_copy(gsrc(b).at[sidx_v.at[pl.ds(b * BB, BB)]], rows[b], gsem[b])

    def group(u, carry):
        sdescs = []
        for b in range(NBUF):
            j = u * NBUF + b
            pltpu.make_async_copy(
                gsrc(b).at[sidx_v.at[pl.ds(j * BB, BB)]], rows[b], gsem[b]).wait()
            sdescs.append(pltpu.async_copy(
                rows[b], acc_sp.at[didx_v.at[pl.ds(j * BB, BB)]], ssem[b], add=True))
        for b in range(NBUF):
            j2 = (u + 1) * NBUF + b
            sdescs[b].wait()
            pltpu.async_copy(gsrc(b).at[sidx_v.at[pl.ds(j2 * BB, BB)]], rows[b], gsem[b])
        return carry

    lax.fori_loop(0, NBF // NBUF - 1, group, 0)
    tdescs = []
    for b in range(NBUF):
        j = NBF - NBUF + b
        pltpu.make_async_copy(
            gsrc(b).at[sidx_v.at[pl.ds(j * BB, BB)]], rows[b], gsem[b]).wait()
        tdescs.append(pltpu.async_copy(
            rows[b], acc_sp.at[didx_v.at[pl.ds(j * BB, BB)]], ssem[b], add=True))
    for d in tdescs:
        d.wait()
    pltpu.sync_copy(g_sp.at[sidx_v.at[pl.ds(NBF * BB, TAIL)]],
                    rows[0].at[pl.ds(0, TAIL)])
    pltpu.sync_copy(rows[0].at[pl.ds(0, TAIL)],
                    acc_sp.at[didx_v.at[pl.ds(NBF * BB, TAIL)]], add=True)
    plsc.subcore_barrier()
    for r in range(ROWS_PER_TILE // ZCHUNK):
        b = r % NBUF
        pltpu.sync_copy(acc_sp.at[pl.ds(base + r * ZCHUNK, ZCHUNK)],
                        rows[b].at[pl.ds(0, ZCHUNK)])
        pltpu.sync_copy(rows[b].at[pl.ds(0, ZCHUNK)],
                        accp_hbm.at[c, pl.ds(base + r * ZCHUNK, ZCHUNK)])


_segsum_kernel = pl.kernel(
    _segsum_body,
    out_type=jax.ShapeDtypeStruct((NC, N_NODES, D_CAT), jnp.float32),
    mesh=_mesh,
    scratch_types=[
        pltpu.VMEM((EPT,), jnp.int32),
        pltpu.VMEM((EPT,), jnp.int32),
        *[pltpu.VMEM((BB, D_CAT), jnp.float32) for _ in range(NBUF)],
        *[pltpu.SemaphoreType.DMA for _ in range(2 * NBUF)],
        pltpu.VMEM_SHARED((ACC_ROWS, D_CAT), jnp.float32),
        pltpu.VMEM_SHARED((N_NODES, D_CAT), jnp.float32),
    ],
    compiler_params=_sc_params,
)


def _post_body(accp_ref, g_ref, degp_ref, bmu_ref, bls_ref, mu_ref, ls_ref):
    dp = degp_ref[...]
    deg = dp[:, 0] + dp[:, 1] + 1.0
    dinv = lax.rsqrt(deg)
    ssum = accp_ref[0] + accp_ref[1] + g_ref[...]
    o = ssum * dinv[:, None]
    mu_ref[...] = o[:, :D_OUT] + bmu_ref[...]
    ls_ref[...] = o[:, D_OUT:] + bls_ref[...]


def _post(accp, g, degp, b_mu2, b_ls2):
    blk = 2000
    return pl.pallas_call(
        _post_body,
        grid=(N_NODES // blk,),
        in_specs=[
            pl.BlockSpec((NC, blk, D_CAT), lambda i: (0, i, 0)),
            pl.BlockSpec((blk, D_CAT), lambda i: (i, 0)),
            pl.BlockSpec((blk, NC), lambda i: (i, 0)),
            pl.BlockSpec((1, D_OUT), lambda i: (0, 0)),
            pl.BlockSpec((1, D_OUT), lambda i: (0, 0)),
        ],
        out_specs=[
            pl.BlockSpec((blk, D_OUT), lambda i: (i, 0)),
            pl.BlockSpec((blk, D_OUT), lambda i: (i, 0)),
        ],
        out_shape=[
            jax.ShapeDtypeStruct((N_NODES, D_OUT), jnp.float32),
            jax.ShapeDtypeStruct((N_NODES, D_OUT), jnp.float32),
        ],
    )(accp, g, degp, b_mu2, b_ls2)


@jax.jit
def kernel(x, edge_index, W_mu, b_mu, W_logstd, b_logstd):
    w_cat = jnp.concatenate([W_mu, W_logstd], axis=1)
    zeros1 = jnp.zeros((DEG_PER_TILE,), jnp.float32)
    ones1 = jnp.ones((BB,), jnp.float32)
    zeros2 = jnp.zeros((ZCHUNK, D_CAT), jnp.float32)

    degp = _deg_kernel(edge_index, zeros1, ones1)
    degp = degp[:, :N_NODES].T
    g = _pre(x, w_cat, degp)
    accp = _segsum_kernel(edge_index, g, zeros2)
    mu, ls = _post(accp, g, degp, b_mu.reshape(1, D_OUT), b_logstd.reshape(1, D_OUT))
    return mu, ls

# --- scband reference (transcript-rebuilt; emitter-appended) ---
"""Pipeline reference for scband-variational-linear-encoder-22308060136297 (READ-ONLY COPY).

The authoritative reference and input builder live on the scoring server;
editing this copy changes nothing except your own understanding.
"""

import jax, jax.numpy as jnp
import numpy as np

N = 10000
D_IN = 128
D_OUT = 32
E = 320000


def _gcn_conv(x, edge_index, W, b, num_nodes):
    # Faithful PyG GCNConv: add self-loops, symmetric normalization, scatter-add aggregation.
    src = edge_index[0]
    dst = edge_index[1]
    loop = jnp.arange(num_nodes, dtype=src.dtype)
    src = jnp.concatenate([src, loop])
    dst = jnp.concatenate([dst, loop])
    deg = jnp.zeros((num_nodes,), dtype=x.dtype).at[dst].add(1.0)
    deg_inv_sqrt = jnp.where(deg > 0, deg ** -0.5, 0.0)
    norm = deg_inv_sqrt[src] * deg_inv_sqrt[dst]
    h = x @ W
    msg = jnp.take(h, src, axis=0) * norm[:, None]
    out = jnp.zeros((num_nodes, W.shape[1]), dtype=x.dtype).at[dst].add(msg)
    return out + b


def setup_inputs(seed: int = 0) -> dict:
    key = jax.random.key(seed)
    k1, k2, k3, k4 = jax.random.split(key, 4)
    x = jax.random.normal(k1, (N, D_IN), dtype=jnp.float32)
    edge_index = jax.random.randint(k2, (2, E), 0, N, dtype=jnp.int32)
    glorot = (6.0 / (D_IN + D_OUT)) ** 0.5
    W_mu = jax.random.uniform(k3, (D_IN, D_OUT), dtype=jnp.float32, minval=-glorot, maxval=glorot)
    W_logstd = jax.random.uniform(k4, (D_IN, D_OUT), dtype=jnp.float32, minval=-glorot, maxval=glorot)
    b_mu = jnp.zeros((D_OUT,), dtype=jnp.float32)
    b_logstd = jnp.zeros((D_OUT,), dtype=jnp.float32)
    return {"x": x, "edge_index": edge_index, "W_mu": W_mu, "b_mu": b_mu, "W_logstd": W_logstd, "b_logstd": b_logstd}


def reference(x, edge_index, W_mu, b_mu, W_logstd, b_logstd):
    mu = _gcn_conv(x, edge_index, W_mu, b_mu, N)
    logstd = _gcn_conv(x, edge_index, W_logstd, b_logstd, N)
    return (mu, logstd)

if __name__ == "__main__":
    import jax
    _d = setup_inputs()
    print(jax.jit(kernel)(*tuple(_d.values())))

</pallas_src>

<mosaic_0001>
#map = affine_map<(d0, d1) -> (0, 0)>
#map1 = affine_map<(d0, d1) -> (0)>
module attributes {stable_mosaic.version = 14 : i64} {
  func.func @_deg_body(%arg0: i32, %arg1: i32, %arg2: memref<2x320000xi32, #tpu.memory_space<hbm>>, %arg3: memref<640xf32, #tpu.memory_space<hbm>>, %arg4: memref<128xf32, #tpu.memory_space<hbm>>, %arg5: memref<2x10240xf32, #tpu.memory_space<hbm>>, %arg6: memref<10000xi32, #tpu.memory_space<vmem>>, %arg7: memref<640xf32, #tpu.memory_space<vmem>>, %arg8: memref<128xf32, #tpu.memory_space<vmem>>, %arg9: memref<!tpu.dma_semaphore, #tpu.memory_space<semaphore_mem>>, %arg10: memref<!tpu.dma_semaphore, #tpu.memory_space<semaphore_mem>>, %arg11: memref<!tpu.dma_semaphore, #tpu.memory_space<semaphore_mem>>, %arg12: memref<!tpu.dma_semaphore, #tpu.memory_space<semaphore_mem>>, %arg13: memref<!tpu.dma_semaphore, #tpu.memory_space<semaphore_mem>>, %arg14: memref<!tpu.dma_semaphore, #tpu.memory_space<semaphore_mem>>, %arg15: memref<10240xf32, #tpu.memory_space<vmem_shared>>) attributes {dimension_semantics = [#tpu.dimension_semantics<core_parallel>, #tpu.dimension_semantics<subcore_parallel>], iteration_bounds = array<i64: 2, 16>, scalar_prefetch = 0 : i64, scratch_operands = 10 : i64, tpu.core_type = #tpu.core_type<sc_vector_subcore>, window_params = [{transform_indices = #map}, {transform_indices = #map1}, {transform_indices = #map1}, {transform_indices = #map}]} {
    %mul3A = arith.constant 16 : i32
    %mul3A_0 = arith.muli %arg0, %mul3A : i32
    %add3A = arith.addi %mul3A_0, %arg1 : i32
    %mul3A_1 = arith.constant 10000 : i32
    %mul3A_2 = arith.muli %add3A, %mul3A_1 : i32
    %run_scoped3A = arith.constant 1 : i32
    "tpu.region"() ({
      %run_scoped3A_15 = tpu.sem_alloc : memref<!tpu.dma_semaphore, #tpu.memory_space<semaphore_mem>>
      %dma_start3A = tpu.memref_slice %arg2[%run_scoped3A, %mul3A_2] : memref<2x320000xi32, #tpu.memory_space<hbm>> -> memref<1x10000xi32, #tpu.memory_space<hbm>>
      %dma_start3A_16 = tpu.memref_squeeze %dma_start3A : memref<1x10000xi32, #tpu.memory_space<hbm>> -> memref<10000xi32, #tpu.memory_space<hbm>>
      %dma_start3A_17 = tpu.memref_slice %arg2[%run_scoped3A, %mul3A_2] : memref<2x320000xi32, #tpu.memory_space<hbm>> -> memref<1x10000xi32, #tpu.memory_space<hbm>>
      %dma_start3A_18 = tpu.memref_squeeze %dma_start3A_17 : memref<1x10000xi32, #tpu.memory_space<hbm>> -> memref<10000xi32, #tpu.memory_space<hbm>>
      tpu.enqueue_dma source(%dma_start3A_18 : memref<10000xi32, #tpu.memory_space<hbm>>) target(%arg6 : memref<10000xi32, #tpu.memory_space<vmem>>) target_semaphore(%run_scoped3A_15 : memref<!tpu.dma_semaphore, #tpu.memory_space<semaphore_mem>>)
      %dma_wait3A = tpu.memref_slice %arg2[%run_scoped3A, %mul3A_2] : memref<2x320000xi32, #tpu.memory_space<hbm>> -> memref<1x10000xi32, #tpu.memory_space<hbm>>
      %dma_wait3A_19 = tpu.memref_squeeze %dma_wait3A : memref<1x10000xi32, #tpu.memory_space<hbm>> -> memref<10000xi32, #tpu.memory_space<hbm>>
      %dma_wait3A_20 = tpu.memref_slice %arg2[%run_scoped3A, %mul3A_2] : memref<2x320000xi32, #tpu.memory_space<hbm>> -> memref<1x10000xi32, #tpu.memory_space<hbm>>
      %dma_wait3A_21 = tpu.memref_squeeze %dma_wait3A_20 : memref<1x10000xi32, #tpu.memory_space<hbm>> -> memref<10000xi32, #tpu.memory_space<hbm>>
      tpu.wait_dma2 semaphore(%run_scoped3A_15 : memref<!tpu.dma_semaphore, #tpu.memory_space<semaphore_mem>>) src(%dma_wait3A_21 : memref<10000xi32, #tpu.memory_space<hbm>>) dst(%arg6 : memref<10000xi32, #tpu.memory_space<vmem>>)
      tpu.yield
    }) : () -> ()
    "tpu.region"() ({
      %run_scoped3A_15 = tpu.sem_alloc : memref<!tpu.dma_semaphore, #tpu.memory_space<semaphore_mem>>
      tpu.enqueue_dma source(%arg3 : memref<640xf32, #tpu.memory_space<hbm>>) target(%arg7 : memref<640xf32, #tpu.memory_space<vmem>>) target_semaphore(%run_scoped3A_15 : memref<!tpu.dma_semaphore, #tpu.memory_space<semaphore_mem>>)
      tpu.wait_dma2 semaphore(%run_scoped3A_15 : memref<!tpu.dma_semaphore, #tpu.memory_space<semaphore_mem>>) src(%arg3 : memref<640xf32, #tpu.memory_space<hbm>>) dst(%arg7 : memref<640xf32, #tpu.memory_space<vmem>>)
      tpu.yield
    }) : () -> ()
    "tpu.region"() ({
      %run_scoped3A_15 = tpu.sem_alloc : memref<!tpu.dma_semaphore, #tpu.memory_space<semaphore_mem>>
      tpu.enqueue_dma source(%arg4 : memref<128xf32, #tpu.memory_space<hbm>>) target(%arg8 : memref<128xf32, #tpu.memory_space<vmem>>) target_semaphore(%run_scoped3A_15 : memref<!tpu.dma_semaphore, #tpu.memory_space<semaphore_mem>>)
      tpu.wait_dma2 semaphore(%run_scoped3A_15 : memref<!tpu.dma_semaphore, #tpu.memory_space<semaphore_mem>>) src(%arg4 : memref<128xf32, #tpu.memory_space<hbm>>) dst(%arg8 : memref<128xf32, #tpu.memory_space<vmem>>)
      tpu.yield
    }) : () -> ()
    %mul3A_3 = arith.constant 640 : i32
    %mul3A_4 = arith.muli %arg1, %mul3A_3 : i32
    "tpu.region"() ({
      %run_scoped3A_15 = tpu.sem_alloc : memref<!tpu.dma_semaphore, #tpu.memory_space<semaphore_mem>>
      %dma_start3A = arith.constant 0 : i32
      %dma_start3A_16 = tpu.memref_slice %arg7[%dma_start3A] : memref<640xf32, #tpu.memory_space<vmem>> -> memref<640xf32, #tpu.memory_space<vmem>>
      %dma_start3A_17 = tpu.memref_slice %arg15[%mul3A_4] : memref<10240xf32, #tpu.memory_space<vmem_shared>> -> memref<640xf32, #tpu.memory_space<vmem_shared>>
      %dma_start3A_18 = tpu.memref_slice %arg15[%mul3A_4] : memref<10240xf32, #tpu.memory_space<vmem_shared>> -> memref<640xf32, #tpu.memory_space<vmem_shared>>
      %dma_start3A_19 = arith.constant 0 : i32
      %dma_start3A_20 = tpu.memref_slice %arg7[%dma_start3A_19] : memref<640xf32, #tpu.memory_space<vmem>> -> memref<640xf32, #tpu.memory_space<vmem>>
      tpu.enqueue_dma source(%dma_start3A_20 : memref<640xf32, #tpu.memory_space<vmem>>) target(%dma_start3A_18 : memref<640xf32, #tpu.memory_space<vmem_shared>>) target_semaphore(%run_scoped3A_15 : memref<!tpu.dma_semaphore, #tpu.memory_space<semaphore_mem>>)
      %dma_wait3A = arith.constant 0 : i32
      %dma_wait3A_21 = tpu.memref_slice %arg7[%dma_wait3A] : memref<640xf32, #tpu.memory_space<vmem>> -> memref<640xf32, #tpu.memory_space<vmem>>
      %dma_wait3A_22 = tpu.memref_slice %arg15[%mul3A_4] : memref<10240xf32, #tpu.memory_space<vmem_shared>> -> memref<640xf32, #tpu.memory_space<vmem_shared>>
      %dma_wait3A_23 = tpu.memref_slice %arg15[%mul3A_4] : memref<10240xf32, #tpu.memory_space<vmem_shared>> -> memref<640xf32, #tpu.memory_space<vmem_shared>>
      %dma_wait3A_24 = arith.constant 0 : i32
      %dma_wait3A_25 = tpu.memref_slice %arg7[%dma_wait3A_24] : memref<640xf32, #tpu.memory_space<vmem>> -> memref<640xf32, #tpu.memory_space<vmem>>
      tpu.wait_dma2 semaphore(%run_scoped3A_15 : memref<!tpu.dma_semaphore, #tpu.memory_space<semaphore_mem>>) src(%dma_wait3A_25 : memref<640xf32, #tpu.memory_space<vmem>>) dst(%dma_wait3A_23 : memref<640xf32, #tpu.memory_space<vmem_shared>>)
      tpu.yield
    }) : () -> ()
    %barrier3A = arith.constant 0 : index
    tpu.barrier barrier_id(%barrier3A)
    %scan3A = arith.constant 0 : i32
    %scan3A_5 = arith.constant 0 : i32
    %scan3A_6 = arith.constant 13 : i32
    %scan3A_7 = arith.addi %scan3A_5, %scan3A_6 : i32
    %scan3A_8 = arith.constant 1 : i32
    scf.for %scan3A_15 = %scan3A_5 to %scan3A_7 step %scan3A_8  : i32 {
      %mul3A_16 = arith.constant 6 : i32
      %mul3A_17 = arith.muli %scan3A_15, %mul3A_16 : i32
      %add3A_18 = arith.constant 0 : i32
      %add3A_19 = arith.addi %mul3A_17, %add3A_18 : i32
      %mul3A_20 = arith.constant 128 : i32
      %mul3A_21 = arith.muli %add3A_19, %mul3A_20 : i32
      %dma_start3A = tpu.memref_slice %arg6[%mul3A_21] : memref<10000xi32, #tpu.memory_space<vmem>> -> memref<128xi32, #tpu.memory_space<vmem>>
      %dma_start3A_22 = arith.constant 0 : i32
      %dma_start3A_23 = tpu.memref_slice %arg15[%dma_start3A_22] : memref<10240xf32, #tpu.memory_space<vmem_shared>> -> memref<10240xf32, #tpu.memory_space<vmem_shared>>
      tpu.enqueue_indirect_dma source(%arg8 : memref<128xf32, #tpu.memory_space<vmem>>) target(%dma_start3A_23 : memref<10240xf32, #tpu.memory_space<vmem_shared>>) offsets(%dma_start3A : memref<128xi32, #tpu.memory_space<vmem>>) semaphore(%arg9 : memref<!tpu.dma_semaphore, #tpu.memory_space<semaphore_mem>>) {add = true}
      %mul3A_24 = arith.constant 6 : i32
      %mul3A_25 = arith.muli %scan3A_15, %mul3A_24 : i32
      %add3A_26 = arith.constant 1 : i32
      %add3A_27 = arith.addi %mul3A_25, %add3A_26 : i32
      %mul3A_28 = arith.constant 128 : i32
      %mul3A_29 = arith.muli %add3A_27, %mul3A_28 : i32
      %dma_start3A_30 = tpu.memref_slice %arg6[%mul3A_29] : memref<10000xi32, #tpu.memory_space<vmem>> -> memref<128xi32, #tpu.memory_space<vmem>>
      %dma_start3A_31 = arith.constant 0 : i32
      %dma_start3A_32 = tpu.memref_slice %arg15[%dma_start3A_31] : memref<10240xf32, #tpu.memory_space<vmem_shared>> -> memref<10240xf32, #tpu.memory_space<vmem_shared>>
      tpu.enqueue_indirect_dma source(%arg8 : memref<128xf32, #tpu.memory_space<vmem>>) target(%dma_start3A_32 : memref<10240xf32, #tpu.memory_space<vmem_shared>>) offsets(%dma_start3A_30 : memref<128xi32, #tpu.memory_space<vmem>>) semaphore(%arg10 : memref<!tpu.dma_semaphore, #tpu.memory_space<semaphore_mem>>) {add = true}
      %mul3A_33 = arith.constant 6 : i32
      %mul3A_34 = arith.muli %scan3A_15, %mul3A_33 : i32
      %add3A_35 = arith.constant 2 : i32
      %add3A_36 = arith.addi %mul3A_34, %add3A_35 : i32
      %mul3A_37 = arith.constant 128 : i32
      %mul3A_38 = arith.muli %add3A_36, %mul3A_37 : i32
      %dma_start3A_39 = tpu.memref_slice %arg6[%mul3A_38] : memref<10000xi32, #tpu.memory_space<vmem>> -> memref<128xi32, #tpu.memory_space<vmem>>
      %dma_start3A_40 = arith.constant 0 : i32
      %dma_start3A_41 = tpu.memref_slice %arg15[%dma_start3A_40] : memref<10240xf32, #tpu.memory_space<vmem_shared>> -> memref<10240xf32, #tpu.memory_space<vmem_shared>>
      tpu.enqueue_indirect_dma source(%arg8 : memref<128xf32, #tpu.memory_space<vmem>>) target(%dma_start3A_41 : memref<10240xf32, #tpu.memory_space<vmem_shared>>) offsets(%dma_start3A_39 : memref<128xi32, #tpu.memory_space<vmem>>) semaphore(%arg11 : memref<!tpu.dma_semaphore, #tpu.memory_space<semaphore_mem>>) {add = true}
      %mul3A_42 = arith.constant 6 : i32
      %mul3A_43 = arith.muli %scan3A_15, %mul3A_42 : i32
      %add3A_44 = arith.constant 3 : i32
      %add3A_45 = arith.addi %mul3A_43, %add3A_44 : i32
      %mul3A_46 = arith.constant 128 : i32
      %mul3A_47 = arith.muli %add3A_45, %mul3A_46 : i32
      %dma_start3A_48 = tpu.memref_slice %arg6[%mul3A_47] : memref<10000xi32, #tpu.memory_space<vmem>> -> memref<128xi32, #tpu.memory_space<vmem>>
      %dma_start3A_49 = arith.constant 0 : i32
      %dma_start3A_50 = tpu.memref_slice %arg15[%dma_start3A_49] : memref<10240xf32, #tpu.memory_space<vmem_shared>> -> memref<10240xf32, #tpu.memory_space<vmem_shared>>
      tpu.enqueue_indirect_dma source(%arg8 : memref<128xf32, #tpu.memory_space<vmem>>) target(%dma_start3A_50 : memref<10240xf32, #tpu.memory_space<vmem_shared>>) offsets(%dma_start3A_48 : memref<128xi32, #tpu.memory_space<vmem>>) semaphore(%arg12 : memref<!tpu.dma_semaphore, #tpu.memory_space<semaphore_mem>>) {add = true}
      %mul3A_51 = arith.constant 6 : i32
      %mul3A_52 = arith.muli %scan3A_15, %mul3A_51 : i32
      %add3A_53 = arith.constant 4 : i32
      %add3A_54 = arith.addi %mul3A_52, %add3A_53 : i32
      %mul3A_55 = arith.constant 128 : i32
      %mul3A_56 = arith.muli %add3A_54, %mul3A_55 : i32
      %dma_start3A_57 = tpu.memref_slice %arg6[%mul3A_56] : memref<10000xi32, #tpu.memory_space<vmem>> -> memref<128xi32, #tpu.memory_space<vmem>>
      %dma_start3A_58 = arith.constant 0 : i32
      %dma_start3A_59 = tpu.memref_slice %arg15[%dma_start3A_58] : memref<10240xf32, #tpu.memory_space<vmem_shared>> -> memref<10240xf32, #tpu.memory_space<vmem_shared>>
      tpu.enqueue_indirect_dma source(%arg8 : memref<128xf32, #tpu.memory_space<vmem>>) target(%dma_start3A_59 : memref<10240xf32, #tpu.memory_space<vmem_shared>>) offsets(%dma_start3A_57 : memref<128xi32, #tpu.memory_space<vmem>>) semaphore(%arg13 : memref<!tpu.dma_semaphore, #tpu.memory_space<semaphore_mem>>) {add = true}
      %mul3A_60 = arith.constant 6 : i32
      %mul3A_61 = arith.muli %scan3A_15, %mul3A_60 : i32
      %add3A_62 = arith.constant 5 : i32
      %add3A_63 = arith.addi %mul3A_61, %add3A_62 : i32
      %mul3A_64 = arith.constant 128 : i32
      %mul3A_65 = arith.muli %add3A_63, %mul3A_64 : i32
      %dma_start3A_66 = tpu.memref_slice %arg6[%mul3A_65] : memref<10000xi32, #tpu.memory_space<vmem>> -> memref<128xi32, #tpu.memory_space<vmem>>
      %dma_start3A_67 = arith.constant 0 : i32
      %dma_start3A_68 = tpu.memref_slice %arg15[%dma_start3A_67] : memref<10240xf32, #tpu.memory_space<vmem_shared>> -> memref<10240xf32, #tpu.memory_space<vmem_shared>>
      tpu.enqueue_indirect_dma source(%arg8 : memref<128xf32, #tpu.memory_space<vmem>>) target(%dma_start3A_68 : memref<10240xf32, #tpu.memory_space<vmem_shared>>) offsets(%dma_start3A_66 : memref<128xi32, #tpu.memory_space<vmem>>) semaphore(%arg14 : memref<!tpu.dma_semaphore, #tpu.memory_space<semaphore_mem>>) {add = true}
      %dma_wait3A = tpu.memref_slice %arg6[%mul3A_21] : memref<10000xi32, #tpu.memory_space<vmem>> -> memref<128xi32, #tpu.memory_space<vmem>>
      %dma_wait3A_69 = arith.constant 0 : i32
      %dma_wait3A_70 = tpu.memref_slice %arg15[%dma_wait3A_69] : memref<10240xf32, #tpu.memory_space<vmem_shared>> -> memref<10240xf32, #tpu.memory_space<vmem_shared>>
      tpu.wait_indirect_dma semaphore(%arg9 : memref<!tpu.dma_semaphore, #tpu.memory_space<semaphore_mem>>) src(%arg8 : memref<128xf32, #tpu.memory_space<vmem>>) dst(%dma_wait3A_70 : memref<10240xf32, #tpu.memory_space<vmem_shared>>)
      %dma_wait3A_71 = tpu.memref_slice %arg6[%mul3A_29] : memref<10000xi32, #tpu.memory_space<vmem>> -> memref<128xi32, #tpu.memory_space<vmem>>
      %dma_wait3A_72 = arith.constant 0 : i32
      %dma_wait3A_73 = tpu.memref_slice %arg15[%dma_wait3A_72] : memref<10240xf32, #tpu.memory_space<vmem_shared>> -> memref<10240xf32, #tpu.memory_space<vmem_shared>>
      tpu.wait_indirect_dma semaphore(%arg10 : memref<!tpu.dma_semaphore, #tpu.memory_space<semaphore_mem>>) src(%arg8 : memref<128xf32, #tpu.memory_space<vmem>>) dst(%dma_wait3A_73 : memref<10240xf32, #tpu.memory_space<vmem_shared>>)
      %dma_wait3A_74 = tpu.memref_slice %arg6[%mul3A_38] : memref<10000xi32, #tpu.memory_space<vmem>> -> memref<128xi32, #tpu.memory_space<vmem>>
      %dma_wait3A_75 = arith.constant 0 : i32
      %dma_wait3A_76 = tpu.memref_slice %arg15[%dma_wait3A_75] : memref<10240xf32, #tpu.memory_space<vmem_shared>> -> memref<10240xf32, #tpu.memory_space<vmem_shared>>
      tpu.wait_indirect_dma semaphore(%arg11 : memref<!tpu.dma_semaphore, #tpu.memory_space<semaphore_mem>>) src(%arg8 : memref<128xf32, #tpu.memory_space<vmem>>) dst(%dma_wait3A_76 : memref<10240xf32, #tpu.memory_space<vmem_shared>>)
      %dma_wait3A_77 = tpu.memref_slice %arg6[%mul3A_47] : memref<10000xi32, #tpu.memory_space<vmem>> -> memref<128xi32, #tpu.memory_space<vmem>>
      %dma_wait3A_78 = arith.constant 0 : i32
      %dma_wait3A_79 = tpu.memref_slice %arg15[%dma_wait3A_78] : memref<10240xf32, #tpu.memory_space<vmem_shared>> -> memref<10240xf32, #tpu.memory_space<vmem_shared>>
      tpu.wait_indirect_dma semaphore(%arg12 : memref<!tpu.dma_semaphore, #tpu.memory_space<semaphore_mem>>) src(%arg8 : memref<128xf32, #tpu.memory_space<vmem>>) dst(%dma_wait3A_79 : memref<10240xf32, #tpu.memory_space<vmem_shared>>)
      %dma_wait3A_80 = tpu.memref_slice %arg6[%mul3A_56] : memref<10000xi32, #tpu.memory_space<vmem>> -> memref<128xi32, #tpu.memory_space<vmem>>
      %dma_wait3A_81 = arith.constant 0 : i32
      %dma_wait3A_82 = tpu.memref_slice %arg15[%dma_wait3A_81] : memref<10240xf32, #tpu.memory_space<vmem_shared>> -> memref<10240xf32, #tpu.memory_space<vmem_shared>>
      tpu.wait_indirect_dma semaphore(%arg13 : memref<!tpu.dma_semaphore, #tpu.memory_space<semaphore_mem>>) src(%arg8 : memref<128xf32, #tpu.memory_space<vmem>>) dst(%dma_wait3A_82 : memref<10240xf32, #tpu.memory_space<vmem_shared>>)
      %dma_wait3A_83 = tpu.memref_slice %arg6[%mul3A_65] : memref<10000xi32, #tpu.memory_space<vmem>> -> memref<128xi32, #tpu.memory_space<vmem>>
      %dma_wait3A_84 = arith.constant 0 : i32
      %dma_wait3A_85 = tpu.memref_slice %arg15[%dma_wait3A_84] : memref<10240xf32, #tpu.memory_space<vmem_shared>> -> memref<10240xf32, #tpu.memory_space<vmem_shared>>
      tpu.wait_indirect_dma semaphore(%arg14 : memref<!tpu.dma_semaphore, #tpu.memory_space<semaphore_mem>>) src(%arg8 : memref<128xf32, #tpu.memory_space<vmem>>) dst(%dma_wait3A_85 : memref<10240xf32, #tpu.memory_space<vmem_shared>>)
    }
    %scan3A_9 = arith.constant 13 : i32
    "tpu.region"() ({
      %run_scoped3A_15 = tpu.sem_alloc : memref<!tpu.dma_semaphore, #tpu.memory_space<semaphore_mem>>
      %dma_start3A = arith.constant 0 : i32
      %dma_start3A_16 = tpu.memref_slice %arg8[%dma_start3A] : memref<128xf32, #tpu.memory_space<vmem>> -> memref<16xf32, #tpu.memory_space<vmem>>
      %dma_start3A_17 = arith.constant 9984 : i32
      %dma_start3A_18 = tpu.memref_slice %arg6[%dma_start3A_17] : memref<10000xi32, #tpu.memory_space<vmem>> -> memref<16xi32, #tpu.memory_space<vmem>>
      %dma_start3A_19 = arith.constant 0 : i32
      %dma_start3A_20 = tpu.memref_slice %arg15[%dma_start3A_19] : memref<10240xf32, #tpu.memory_space<vmem_shared>> -> memref<10240xf32, #tpu.memory_space<vmem_shared>>
      tpu.enqueue_indirect_dma source(%dma_start3A_16 : memref<16xf32, #tpu.memory_space<vmem>>) target(%dma_start3A_20 : memref<10240xf32, #tpu.memory_space<vmem_shared>>) offsets(%dma_start3A_18 : memref<16xi32, #tpu.memory_space<vmem>>) semaphore(%run_scoped3A_15 : memref<!tpu.dma_semaphore, #tpu.memory_space<semaphore_mem>>) {add = true}
      %dma_wait3A = arith.constant 0 : i32
      %dma_wait3A_21 = tpu.memref_slice %arg8[%dma_wait3A] : memref<128xf32, #tpu.memory_space<vmem>> -> memref<16xf32, #tpu.memory_space<vmem>>
      %dma_wait3A_22 = arith.constant 9984 : i32
      %dma_wait3A_23 = tpu.memref_slice %arg6[%dma_wait3A_22] : memref<10000xi32, #tpu.memory_space<vmem>> -> memref<16xi32, #tpu.memory_space<vmem>>
      %dma_wait3A_24 = arith.constant 0 : i32
      %dma_wait3A_25 = tpu.memref_slice %arg15[%dma_wait3A_24] : memref<10240xf32, #tpu.memory_space<vmem_shared>> -> memref<10240xf32, #tpu.memory_space<vmem_shared>>
      tpu.wait_indirect_dma semaphore(%run_scoped3A_15 : memref<!tpu.dma_semaphore, #tpu.memory_space<semaphore_mem>>) src(%dma_wait3A_21 : memref<16xf32, #tpu.memory_space<vmem>>) dst(%dma_wait3A_25 : memref<10240xf32, #tpu.memory_space<vmem_shared>>)
      tpu.yield
    }) : () -> ()
    %barrier3A_10 = arith.constant 0 : index
    tpu.barrier barrier_id(%barrier3A_10)
    %mul3A_11 = arith.constant 640 : i32
    %mul3A_12 = arith.muli %arg1, %mul3A_11 : i32
    "tpu.region"() ({
      %run_scoped3A_15 = tpu.sem_alloc : memref<!tpu.dma_semaphore, #tpu.memory_space<semaphore_mem>>
      %dma_start3A = tpu.memref_slice %arg15[%mul3A_12] : memref<10240xf32, #tpu.memory_space<vmem_shared>> -> memref<640xf32, #tpu.memory_space<vmem_shared>>
      %dma_start3A_16 = tpu.memref_slice %arg15[%mul3A_12] : memref<10240xf32, #tpu.memory_space<vmem_shared>> -> memref<640xf32, #tpu.memory_space<vmem_shared>>
      tpu.enqueue_dma source(%dma_start3A_16 : memref<640xf32, #tpu.memory_space<vmem_shared>>) target(%arg7 : memref<640xf32, #tpu.memory_space<vmem>>) target_semaphore(%run_scoped3A_15 : memref<!tpu.dma_semaphore, #tpu.memory_space<semaphore_mem>>)
      %dma_wait3A = tpu.memref_slice %arg15[%mul3A_12] : memref<10240xf32, #tpu.memory_space<vmem_shared>> -> memref<640xf32, #tpu.memory_space<vmem_shared>>
      %dma_wait3A_17 = tpu.memref_slice %arg15[%mul3A_12] : memref<10240xf32, #tpu.memory_space<vmem_shared>> -> memref<640xf32, #tpu.memory_space<vmem_shared>>
      tpu.wait_dma2 semaphore(%run_scoped3A_15 : memref<!tpu.dma_semaphore, #tpu.memory_space<semaphore_mem>>) src(%dma_wait3A_17 : memref<640xf32, #tpu.memory_space<vmem_shared>>) dst(%arg7 : memref<640xf32, #tpu.memory_space<vmem>>)
      tpu.yield
    }) : () -> ()
    %mul3A_13 = arith.constant 640 : i32
    %mul3A_14 = arith.muli %arg1, %mul3A_13 : i32
    "tpu.region"() ({
      %run_scoped3A_15 = tpu.sem_alloc : memref<!tpu.dma_semaphore, #tpu.memory_space<semaphore_mem>>
      %dma_start3A = tpu.memref_slice %arg5[%arg0, %mul3A_14] : memref<2x10240xf32, #tpu.memory_space<hbm>> -> memref<1x640xf32, #tpu.memory_space<hbm>>
      %dma_start3A_16 = tpu.memref_squeeze %dma_start3A : memref<1x640xf32, #tpu.memory_space<hbm>> -> memref<640xf32, #tpu.memory_space<hbm>>
      %dma_start3A_17 = tpu.memref_slice %arg5[%arg0, %mul3A_14] : memref<2x10240xf32, #tpu.memory_space<hbm>> -> memref<1x640xf32, #tpu.memory_space<hbm>>
      %dma_start3A_18 = tpu.memref_squeeze %dma_start3A_17 : memref<1x640xf32, #tpu.memory_space<hbm>> -> memref<640xf32, #tpu.memory_space<hbm>>
      tpu.enqueue_dma source(%arg7 : memref<640xf32, #tpu.memory_space<vmem>>) target(%dma_start3A_18 : memref<640xf32, #tpu.memory_space<hbm>>) target_semaphore(%run_scoped3A_15 : memref<!tpu.dma_semaphore, #tpu.memory_space<semaphore_mem>>)
      %dma_wait3A = tpu.memref_slice %arg5[%arg0, %mul3A_14] : memref<2x10240xf32, #tpu.memory_space<hbm>> -> memref<1x640xf32, #tpu.memory_space<hbm>>
      %dma_wait3A_19 = tpu.memref_squeeze %dma_wait3A : memref<1x640xf32, #tpu.memory_space<hbm>> -> memref<640xf32, #tpu.memory_space<hbm>>
      %dma_wait3A_20 = tpu.memref_slice %arg5[%arg0, %mul3A_14] : memref<2x10240xf32, #tpu.memory_space<hbm>> -> memref<1x640xf32, #tpu.memory_space<hbm>>
      %dma_wait3A_21 = tpu.memref_squeeze %dma_wait3A_20 : memref<1x640xf32, #tpu.memory_space<hbm>> -> memref<640xf32, #tpu.memory_space<hbm>>
      tpu.wait_dma2 semaphore(%run_scoped3A_15 : memref<!tpu.dma_semaphore, #tpu.memory_space<semaphore_mem>>) src(%arg7 : memref<640xf32, #tpu.memory_space<vmem>>) dst(%dma_wait3A_21 : memref<640xf32, #tpu.memory_space<hbm>>)
      tpu.yield
    }) : () -> ()
    return
  }
}

#map = affine_map<(d0, d1) -> (0, 0)>
#map1 = affine_map<(d0, d1) -> (0, 0, 0)>
module attributes {stable_mosaic.version = 14 : i64} {
  func.func @_segsum_body(%arg0: i32, %arg1: i32, %arg2: memref<2x320000xi32, #tpu.memory_space<hbm>>, %arg3: memref<10000x64xf32, #tpu.memory_space<hbm>>, %arg4: memref<125x64xf32, #tpu.memory_space<hbm>>, %arg5: memref<2x10000x64xf32, #tpu.memory_space<hbm>>, %arg6: memref<10000xi32, #tpu.memory_space<vmem>>, %arg7: memref<10000xi32, #tpu.memory_space<vmem>>, %arg8: memref<128x64xf32, #tpu.memory_space<vmem>>, %arg9: memref<128x64xf32, #tpu.memory_space<vmem>>, %arg10: memref<128x64xf32, #tpu.memory_space<vmem>>, %arg11: memref<!tpu.dma_semaphore, #tpu.memory_space<semaphore_mem>>, %arg12: memref<!tpu.dma_semaphore, #tpu.memory_space<semaphore_mem>>, %arg13: memref<!tpu.dma_semaphore, #tpu.memory_space<semaphore_mem>>, %arg14: memref<!tpu.dma_semaphore, #tpu.memory_space<semaphore_mem>>, %arg15: memref<!tpu.dma_semaphore, #tpu.memory_space<semaphore_mem>>, %arg16: memref<!tpu.dma_semaphore, #tpu.memory_space<semaphore_mem>>, %arg17: memref<10016x64xf32, #tpu.memory_space<vmem_shared>>, %arg18: memref<10000x64xf32, #tpu.memory_space<vmem_shared>>) attributes {dimension_semantics = [#tpu.dimension_semantics<core_parallel>, #tpu.dimension_semantics<subcore_parallel>], iteration_bounds = array<i64: 2, 16>, scalar_prefetch = 0 : i64, scratch_operands = 13 : i64, tpu.core_type = #tpu.core_type<sc_vector_subcore>, window_params = [{transform_indices = #map}, {transform_indices = #map}, {transform_indices = #map}, {transform_indices = #map1}]} {
    %mul3A = arith.constant 16 : i32
    %mul3A_0 = arith.muli %arg0, %mul3A : i32
    %add3A = arith.addi %mul3A_0, %arg1 : i32
    %mul3A_1 = arith.constant 10000 : i32
    %mul3A_2 = arith.muli %add3A, %mul3A_1 : i32
    %run_scoped3A = arith.constant 0 : i32
    "tpu.region"() ({
      %run_scoped3A_102 = tpu.sem_alloc : memref<!tpu.dma_semaphore, #tpu.memory_space<semaphore_mem>>
      %dma_start3A_103 = tpu.memref_slice %arg2[%run_scoped3A, %mul3A_2] : memref<2x320000xi32, #tpu.memory_space<hbm>> -> memref<1x10000xi32, #tpu.memory_space<hbm>>
      %dma_start3A_104 = tpu.memref_squeeze %dma_start3A_103 : memref<1x10000xi32, #tpu.memory_space<hbm>> -> memref<10000xi32, #tpu.memory_space<hbm>>
      %dma_start3A_105 = tpu.memref_slice %arg2[%run_scoped3A, %mul3A_2] : memref<2x320000xi32, #tpu.memory_space<hbm>> -> memref<1x10000xi32, #tpu.memory_space<hbm>>
      %dma_start3A_106 = tpu.memref_squeeze %dma_start3A_105 : memref<1x10000xi32, #tpu.memory_space<hbm>> -> memref<10000xi32, #tpu.memory_space<hbm>>
      tpu.enqueue_dma source(%dma_start3A_106 : memref<10000xi32, #tpu.memory_space<hbm>>) target(%arg6 : memref<10000xi32, #tpu.memory_space<vmem>>) target_semaphore(%run_scoped3A_102 : memref<!tpu.dma_semaphore, #tpu.memory_space<semaphore_mem>>)
      %dma_wait3A_107 = tpu.memref_slice %arg2[%run_scoped3A, %mul3A_2] : memref<2x320000xi32, #tpu.memory_space<hbm>> -> memref<1x10000xi32, #tpu.memory_space<hbm>>
      %dma_wait3A_108 = tpu.memref_squeeze %dma_wait3A_107 : memref<1x10000xi32, #tpu.memory_space<hbm>> -> memref<10000xi32, #tpu.memory_space<hbm>>
      %dma_wait3A_109 = tpu.memref_slice %arg2[%run_scoped3A, %mul3A_2] : memref<2x320000xi32, #tpu.memory_space<hbm>> -> memref<1x10000xi32, #tpu.memory_space<hbm>>
      %dma_wait3A_110 = tpu.memref_squeeze %dma_wait3A_109 : memref<1x10000xi32, #tpu.memory_space<hbm>> -> memref<10000xi32, #tpu.memory_space<hbm>>
      tpu.wait_dma2 semaphore(%run_scoped3A_102 : memref<!tpu.dma_semaphore, #tpu.memory_space<semaphore_mem>>) src(%dma_wait3A_110 : memref<10000xi32, #tpu.memory_space<hbm>>) dst(%arg6 : memref<10000xi32, #tpu.memory_space<vmem>>)
      tpu.yield
    }) : () -> ()
    %mul3A_3 = arith.constant 10000 : i32
    %mul3A_4 = arith.muli %add3A, %mul3A_3 : i32
    %run_scoped3A_5 = arith.constant 1 : i32
    "tpu.region"() ({
      %run_scoped3A_102 = tpu.sem_alloc : memref<!tpu.dma_semaphore, #tpu.memory_space<semaphore_mem>>
      %dma_start3A_103 = tpu.memref_slice %arg2[%run_scoped3A_5, %mul3A_4] : memref<2x320000xi32, #tpu.memory_space<hbm>> -> memref<1x10000xi32, #tpu.memory_space<hbm>>
      %dma_start3A_104 = tpu.memref_squeeze %dma_start3A_103 : memref<1x10000xi32, #tpu.memory_space<hbm>> -> memref<10000xi32, #tpu.memory_space<hbm>>
      %dma_start3A_105 = tpu.memref_slice %arg2[%run_scoped3A_5, %mul3A_4] : memref<2x320000xi32, #tpu.memory_space<hbm>> -> memref<1x10000xi32, #tpu.memory_space<hbm>>
      %dma_start3A_106 = tpu.memref_squeeze %dma_start3A_105 : memref<1x10000xi32, #tpu.memory_space<hbm>> -> memref<10000xi32, #tpu.memory_space<hbm>>
      tpu.enqueue_dma source(%dma_start3A_106 : memref<10000xi32, #tpu.memory_space<hbm>>) target(%arg7 : memref<10000xi32, #tpu.memory_space<vmem>>) target_semaphore(%run_scoped3A_102 : memref<!tpu.dma_semaphore, #tpu.memory_space<semaphore_mem>>)
      %dma_wait3A_107 = tpu.memref_slice %arg2[%run_scoped3A_5, %mul3A_4] : memref<2x320000xi32, #tpu.memory_space<hbm>> -> memref<1x10000xi32, #tpu.memory_space<hbm>>
      %dma_wait3A_108 = tpu.memref_squeeze %dma_wait3A_107 : memref<1x10000xi32, #tpu.memory_space<hbm>> -> memref<10000xi32, #tpu.memory_space<hbm>>
      %dma_wait3A_109 = tpu.memref_slice %arg2[%run_scoped3A_5, %mul3A_4] : memref<2x320000xi32, #tpu.memory_space<hbm>> -> memref<1x10000xi32, #tpu.memory_space<hbm>>
      %dma_wait3A_110 = tpu.memref_squeeze %dma_wait3A_109 : memref<1x10000xi32, #tpu.memory_space<hbm>> -> memref<10000xi32, #tpu.memory_space<hbm>>
      tpu.wait_dma2 semaphore(%run_scoped3A_102 : memref<!tpu.dma_semaphore, #tpu.memory_space<semaphore_mem>>) src(%dma_wait3A_110 : memref<10000xi32, #tpu.memory_space<hbm>>) dst(%arg7 : memref<10000xi32, #tpu.memory_space<vmem>>)
      tpu.yield
    }) : () -> ()
    %mul3A_6 = arith.constant 625 : i32
    %mul3A_7 = arith.muli %arg1, %mul3A_6 : i32
    "tpu.region"() ({
      %run_scoped3A_102 = tpu.sem_alloc : memref<!tpu.dma_semaphore, #tpu.memory_space<semaphore_mem>>
      %dma_start3A_103 = arith.constant 0 : i32
      %dma_start3A_104 = tpu.memref_slice %arg18[%mul3A_7, %dma_start3A_103] : memref<10000x64xf32, #tpu.memory_space<vmem_shared>> -> memref<625x64xf32, #tpu.memory_space<vmem_shared>>
      %dma_start3A_105 = arith.constant 0 : i32
      %dma_start3A_106 = tpu.memref_slice %arg3[%mul3A_7, %dma_start3A_105] : memref<10000x64xf32, #tpu.memory_space<hbm>> -> memref<625x64xf32, #tpu.memory_space<hbm>>
      tpu.enqueue_dma source(%dma_start3A_106 : memref<625x64xf32, #tpu.memory_space<hbm>>) target(%dma_start3A_104 : memref<625x64xf32, #tpu.memory_space<vmem_shared>>) target_semaphore(%run_scoped3A_102 : memref<!tpu.dma_semaphore, #tpu.memory_space<semaphore_mem>>)
      %dma_wait3A_107 = arith.constant 0 : i32
      %dma_wait3A_108 = tpu.memref_slice %arg18[%mul3A_7, %dma_wait3A_107] : memref<10000x64xf32, #tpu.memory_space<vmem_shared>> -> memref<625x64xf32, #tpu.memory_space<vmem_shared>>
      %dma_wait3A_109 = arith.constant 0 : i32
      %dma_wait3A_110 = tpu.memref_slice %arg3[%mul3A_7, %dma_wait3A_109] : memref<10000x64xf32, #tpu.memory_space<hbm>> -> memref<625x64xf32, #tpu.memory_space<hbm>>
      tpu.wait_dma2 semaphore(%run_scoped3A_102 : memref<!tpu.dma_semaphore, #tpu.memory_space<semaphore_mem>>) src(%dma_wait3A_110 : memref<625x64xf32, #tpu.memory_space<hbm>>) dst(%dma_wait3A_108 : memref<625x64xf32, #tpu.memory_space<vmem_shared>>)
      tpu.yield
    }) : () -> ()
    "tpu.region"() ({
      %run_scoped3A_102 = tpu.sem_alloc : memref<!tpu.dma_semaphore, #tpu.memory_space<semaphore_mem>>
      %dma_start3A_103 = arith.constant 0 : i32
      %dma_start3A_104 = arith.constant 0 : i32
      %dma_start3A_105 = tpu.memref_slice %arg8[%dma_start3A_103, %dma_start3A_104] : memref<128x64xf32, #tpu.memory_space<vmem>> -> memref<125x64xf32, #tpu.memory_space<vmem>>
      %dma_start3A_106 = arith.constant 0 : i32
      %dma_start3A_107 = arith.constant 0 : i32
      %dma_start3A_108 = tpu.memref_slice %arg8[%dma_start3A_106, %dma_start3A_107] : memref<128x64xf32, #tpu.memory_space<vmem>> -> memref<125x64xf32, #tpu.memory_space<vmem>>
      tpu.enqueue_dma source(%arg4 : memref<125x64xf32, #tpu.memory_space<hbm>>) target(%dma_start3A_108 : memref<125x64xf32, #tpu.memory_space<vmem>>) target_semaphore(%run_scoped3A_102 : memref<!tpu.dma_semaphore, #tpu.memory_space<semaphore_mem>>)
      %dma_wait3A_109 = arith.constant 0 : i32
      %dma_wait3A_110 = arith.constant 0 : i32
      %dma_wait3A_111 = tpu.memref_slice %arg8[%dma_wait3A_109, %dma_wait3A_110] : memref<128x64xf32, #tpu.memory_space<vmem>> -> memref<125x64xf32, #tpu.memory_space<vmem>>
      %dma_wait3A_112 = arith.constant 0 : i32
      %dma_wait3A_113 = arith.constant 0 : i32
      %dma_wait3A_114 = tpu.memref_slice %arg8[%dma_wait3A_112, %dma_wait3A_113] : memref<128x64xf32, #tpu.memory_space<vmem>> -> memref<125x64xf32, #tpu.memory_space<vmem>>
      tpu.wait_dma2 semaphore(%run_scoped3A_102 : memref<!tpu.dma_semaphore, #tpu.memory_space<semaphore_mem>>) src(%arg4 : memref<125x64xf32, #tpu.memory_space<hbm>>) dst(%dma_wait3A_114 : memref<125x64xf32, #tpu.memory_space<vmem>>)
      tpu.yield
    }) : () -> ()
    %add3A_8 = arith.constant 0 : i32
    %add3A_9 = arith.addi %mul3A_7, %add3A_8 : i32
    "tpu.region"() ({
      %run_scoped3A_102 = tpu.sem_alloc : memref<!tpu.dma_semaphore, #tpu.memory_space<semaphore_mem>>
      %dma_start3A_103 = arith.constant 0 : i32
      %dma_start3A_104 = arith.constant 0 : i32
      %dma_start3A_105 = tpu.memref_slice %arg8[%dma_start3A_103, %dma_start3A_104] : memref<128x64xf32, #tpu.memory_space<vmem>> -> memref<125x64xf32, #tpu.memory_space<vmem>>
      %dma_start3A_106 = arith.constant 0 : i32
      %dma_start3A_107 = tpu.memref_slice %arg17[%add3A_9, %dma_start3A_106] : memref<10016x64xf32, #tpu.memory_space<vmem_shared>> -> memref<125x64xf32, #tpu.memory_space<vmem_shared>>
      %dma_start3A_108 = arith.constant 0 : i32
      %dma_start3A_109 = tpu.memref_slice %arg17[%add3A_9, %dma_start3A_108] : memref<10016x64xf32, #tpu.memory_space<vmem_shared>> -> memref<125x64xf32, #tpu.memory_space<vmem_shared>>
      %dma_start3A_110 = arith.constant 0 : i32
      %dma_start3A_111 = arith.constant 0 : i32
      %dma_start3A_112 = tpu.memref_slice %arg8[%dma_start3A_110, %dma_start3A_111] : memref<128x64xf32, #tpu.memory_space<vmem>> -> memref<125x64xf32, #tpu.memory_space<vmem>>
      tpu.enqueue_dma source(%dma_start3A_112 : memref<125x64xf32, #tpu.memory_space<vmem>>) target(%dma_start3A_109 : memref<125x64xf32, #tpu.memory_space<vmem_shared>>) target_semaphore(%run_scoped3A_102 : memref<!tpu.dma_semaphore, #tpu.memory_space<semaphore_mem>>)
      %dma_wait3A_113 = arith.constant 0 : i32
      %dma_wait3A_114 = arith.constant 0 : i32
      %dma_wait3A_115 = tpu.memref_slice %arg8[%dma_wait3A_113, %dma_wait3A_114] : memref<128x64xf32, #tpu.memory_space<vmem>> -> memref<125x64xf32, #tpu.memory_space<vmem>>
      %dma_wait3A_116 = arith.constant 0 : i32
      %dma_wait3A_117 = tpu.memref_slice %arg17[%add3A_9, %dma_wait3A_116] : memref<10016x64xf32, #tpu.memory_space<vmem_shared>> -> memref<125x64xf32, #tpu.memory_space<vmem_shared>>
      %dma_wait3A_118 = arith.constant 0 : i32
      %dma_wait3A_119 = tpu.memref_slice %arg17[%add3A_9, %dma_wait3A_118] : memref<10016x64xf32, #tpu.memory_space<vmem_shared>> -> memref<125x64xf32, #tpu.memory_space<vmem_shared>>
      %dma_wait3A_120 = arith.constant 0 : i32
      %dma_wait3A_121 = arith.constant 0 : i32
      %dma_wait3A_122 = tpu.memref_slice %arg8[%dma_wait3A_120, %dma_wait3A_121] : memref<128x64xf32, #tpu.memory_space<vmem>> -> memref<125x64xf32, #tpu.memory_space<vmem>>
      tpu.wait_dma2 semaphore(%run_scoped3A_102 : memref<!tpu.dma_semaphore, #tpu.memory_space<semaphore_mem>>) src(%dma_wait3A_122 : memref<125x64xf32, #tpu.memory_space<vmem>>) dst(%dma_wait3A_119 : memref<125x64xf32, #tpu.memory_space<vmem_shared>>)
      tpu.yield
    }) : () -> ()
    %add3A_10 = arith.constant 125 : i32
    %add3A_11 = arith.addi %mul3A_7, %add3A_10 : i32
    "tpu.region"() ({
      %run_scoped3A_102 = tpu.sem_alloc : memref<!tpu.dma_semaphore, #tpu.memory_space<semaphore_mem>>
      %dma_start3A_103 = arith.constant 0 : i32
      %dma_start3A_104 = arith.constant 0 : i32
      %dma_start3A_105 = tpu.memref_slice %arg8[%dma_start3A_103, %dma_start3A_104] : memref<128x64xf32, #tpu.memory_space<vmem>> -> memref<125x64xf32, #tpu.memory_space<vmem>>
      %dma_start3A_106 = arith.constant 0 : i32
      %dma_start3A_107 = tpu.memref_slice %arg17[%add3A_11, %dma_start3A_106] : memref<10016x64xf32, #tpu.memory_space<vmem_shared>> -> memref<125x64xf32, #tpu.memory_space<vmem_shared>>
      %dma_start3A_108 = arith.constant 0 : i32
      %dma_start3A_109 = tpu.memref_slice %arg17[%add3A_11, %dma_start3A_108] : memref<10016x64xf32, #tpu.memory_space<vmem_shared>> -> memref<125x64xf32, #tpu.memory_space<vmem_shared>>
      %dma_start3A_110 = arith.constant 0 : i32
      %dma_start3A_111 = arith.constant 0 : i32
      %dma_start3A_112 = tpu.memref_slice %arg8[%dma_start3A_110, %dma_start3A_111] : memref<128x64xf32, #tpu.memory_space<vmem>> -> memref<125x64xf32, #tpu.memory_space<vmem>>
      tpu.enqueue_dma source(%dma_start3A_112 : memref<125x64xf32, #tpu.memory_space<vmem>>) target(%dma_start3A_109 : memref<125x64xf32, #tpu.memory_space<vmem_shared>>) target_semaphore(%run_scoped3A_102 : memref<!tpu.dma_semaphore, #tpu.memory_space<semaphore_mem>>)
      %dma_wait3A_113 = arith.constant 0 : i32
      %dma_wait3A_114 = arith.constant 0 : i32
      %dma_wait3A_115 = tpu.memref_slice %arg8[%dma_wait3A_113, %dma_wait3A_114] : memref<128x64xf32, #tpu.memory_space<vmem>> -> memref<125x64xf32, #tpu.memory_space<vmem>>
      %dma_wait3A_116 = arith.constant 0 : i32
      %dma_wait3A_117 = tpu.memref_slice %arg17[%add3A_11, %dma_wait3A_116] : memref<10016x64xf32, #tpu.memory_space<vmem_shared>> -> memref<125x64xf32, #tpu.memory_space<vmem_shared>>
      %dma_wait3A_118 = arith.constant 0 : i32
      %dma_wait3A_119 = tpu.memref_slice %arg17[%add3A_11, %dma_wait3A_118] : memref<10016x64xf32, #tpu.memory_space<vmem_shared>> -> memref<125x64xf32, #tpu.memory_space<vmem_shared>>
      %dma_wait3A_120 = arith.constant 0 : i32
      %dma_wait3A_121 = arith.constant 0 : i32
      %dma_wait3A_122 = tpu.memref_slice %arg8[%dma_wait3A_120, %dma_wait3A_121] : memref<128x64xf32, #tpu.memory_space<vmem>> -> memref<125x64xf32, #tpu.memory_space<vmem>>
      tpu.wait_dma2 semaphore(%run_scoped3A_102 : memref<!tpu.dma_semaphore, #tpu.memory_space<semaphore_mem>>) src(%dma_wait3A_122 : memref<125x64xf32, #tpu.memory_space<vmem>>) dst(%dma_wait3A_119 : memref<125x64xf32, #tpu.memory_space<vmem_shared>>)
      tpu.yield
    }) : () -> ()
    %add3A_12 = arith.constant 250 : i32
    %add3A_13 = arith.addi %mul3A_7, %add3A_12 : i32
    "tpu.region"() ({
      %run_scoped3A_102 = tpu.sem_alloc : memref<!tpu.dma_semaphore, #tpu.memory_space<semaphore_mem>>
      %dma_start3A_103 = arith.constant 0 : i32
      %dma_start3A_104 = arith.constant 0 : i32
      %dma_start3A_105 = tpu.memref_slice %arg8[%dma_start3A_103, %dma_start3A_104] : memref<128x64xf32, #tpu.memory_space<vmem>> -> memref<125x64xf32, #tpu.memory_space<vmem>>
      %dma_start3A_106 = arith.constant 0 : i32
      %dma_start3A_107 = tpu.memref_slice %arg17[%add3A_13, %dma_start3A_106] : memref<10016x64xf32, #tpu.memory_space<vmem_shared>> -> memref<125x64xf32, #tpu.memory_space<vmem_shared>>
      %dma_start3A_108 = arith.constant 0 : i32
      %dma_start3A_109 = tpu.memref_slice %arg17[%add3A_13, %dma_start3A_108] : memref<10016x64xf32, #tpu.memory_space<vmem_shared>> -> memref<125x64xf32, #tpu.memory_space<vmem_shared>>
      %dma_start3A_110 = arith.constant 0 : i32
      %dma_start3A_111 = arith.constant 0 : i32
      %dma_start3A_112 = tpu.memref_slice %arg8[%dma_start3A_110, %dma_start3A_111] : memref<128x64xf32, #tpu.memory_space<vmem>> -> memref<125x64xf32, #tpu.memory_space<vmem>>
      tpu.enqueue_dma source(%dma_start3A_112 : memref<125x64xf32, #tpu.memory_space<vmem>>) target(%dma_start3A_109 : memref<125x64xf32, #tpu.memory_space<vmem_shared>>) target_semaphore(%run_scoped3A_102 : memref<!tpu.dma_semaphore, #tpu.memory_space<semaphore_mem>>)
      %dma_wait3A_113 = arith.constant 0 : i32
      %dma_wait3A_114 = arith.constant 0 : i32
      %dma_wait3A_115 = tpu.memref_slice %arg8[%dma_wait3A_113, %dma_wait3A_114] : memref<128x64xf32, #tpu.memory_space<vmem>> -> memref<125x64xf32, #tpu.memory_space<vmem>>
      %dma_wait3A_116 = arith.constant 0 : i32
      %dma_wait3A_117 = tpu.memref_slice %arg17[%add3A_13, %dma_wait3A_116] : memref<10016x64xf32, #tpu.memory_space<vmem_shared>> -> memref<125x64xf32, #tpu.memory_space<vmem_shared>>
      %dma_wait3A_118 = arith.constant 0 : i32
      %dma_wait3A_119 = tpu.memref_slice %arg17[%add3A_13, %dma_wait3A_118] : memref<10016x64xf32, #tpu.memory_space<vmem_shared>> -> memref<125x64xf32, #tpu.memory_space<vmem_shared>>
      %dma_wait3A_120 = arith.constant 0 : i32
      %dma_wait3A_121 = arith.constant 0 : i32
      %dma_wait3A_122 = tpu.memref_slice %arg8[%dma_wait3A_120, %dma_wait3A_121] : memref<128x64xf32, #tpu.memory_space<vmem>> -> memref<125x64xf32, #tpu.memory_space<vmem>>
      tpu.wait_dma2 semaphore(%run_scoped3A_102 : memref<!tpu.dma_semaphore, #tpu.memory_space<semaphore_mem>>) src(%dma_wait3A_122 : memref<125x64xf32, #tpu.memory_space<vmem>>) dst(%dma_wait3A_119 : memref<125x64xf32, #tpu.memory_space<vmem_shared>>)
      tpu.yield
    }) : () -> ()
    %add3A_14 = arith.constant 375 : i32
    %add3A_15 = arith.addi %mul3A_7, %add3A_14 : i32
    "tpu.region"() ({
      %run_scoped3A_102 = tpu.sem_alloc : memref<!tpu.dma_semaphore, #tpu.memory_space<semaphore_mem>>
      %dma_start3A_103 = arith.constant 0 : i32
      %dma_start3A_104 = arith.constant 0 : i32
      %dma_start3A_105 = tpu.memref_slice %arg8[%dma_start3A_103, %dma_start3A_104] : memref<128x64xf32, #tpu.memory_space<vmem>> -> memref<125x64xf32, #tpu.memory_space<vmem>>
      %dma_start3A_106 = arith.constant 0 : i32
      %dma_start3A_107 = tpu.memref_slice %arg17[%add3A_15, %dma_start3A_106] : memref<10016x64xf32, #tpu.memory_space<vmem_shared>> -> memref<125x64xf32, #tpu.memory_space<vmem_shared>>
      %dma_start3A_108 = arith.constant 0 : i32
      %dma_start3A_109 = tpu.memref_slice %arg17[%add3A_15, %dma_start3A_108] : memref<10016x64xf32, #tpu.memory_space<vmem_shared>> -> memref<125x64xf32, #tpu.memory_space<vmem_shared>>
      %dma_start3A_110 = arith.constant 0 : i32
      %dma_start3A_111 = arith.constant 0 : i32
      %dma_start3A_112 = tpu.memref_slice %arg8[%dma_start3A_110, %dma_start3A_111] : memref<128x64xf32, #tpu.memory_space<vmem>> -> memref<125x64xf32, #tpu.memory_space<vmem>>
      tpu.enqueue_dma source(%dma_start3A_112 : memref<125x64xf32, #tpu.memory_space<vmem>>) target(%dma_start3A_109 : memref<125x64xf32, #tpu.memory_space<vmem_shared>>) target_semaphore(%run_scoped3A_102 : memref<!tpu.dma_semaphore, #tpu.memory_space<semaphore_mem>>)
      %dma_wait3A_113 = arith.constant 0 : i32
      %dma_wait3A_114 = arith.constant 0 : i32
      %dma_wait3A_115 = tpu.memref_slice %arg8[%dma_wait3A_113, %dma_wait3A_114] : memref<128x64xf32, #tpu.memory_space<vmem>> -> memref<125x64xf32, #tpu.memory_space<vmem>>
      %dma_wait3A_116 = arith.constant 0 : i32
      %dma_wait3A_117 = tpu.memref_slice %arg17[%add3A_15, %dma_wait3A_116] : memref<10016x64xf32, #tpu.memory_space<vmem_shared>> -> memref<125x64xf32, #tpu.memory_space<vmem_shared>>
      %dma_wait3A_118 = arith.constant 0 : i32
      %dma_wait3A_119 = tpu.memref_slice %arg17[%add3A_15, %dma_wait3A_118] : memref<10016x64xf32, #tpu.memory_space<vmem_shared>> -> memref<125x64xf32, #tpu.memory_space<vmem_shared>>
      %dma_wait3A_120 = arith.constant 0 : i32
      %dma_wait3A_121 = arith.constant 0 : i32
      %dma_wait3A_122 = tpu.memref_slice %arg8[%dma_wait3A_120, %dma_wait3A_121] : memref<128x64xf32, #tpu.memory_space<vmem>> -> memref<125x64xf32, #tpu.memory_space<vmem>>
      tpu.wait_dma2 semaphore(%run_scoped3A_102 : memref<!tpu.dma_semaphore, #tpu.memory_space<semaphore_mem>>) src(%dma_wait3A_122 : memref<125x64xf32, #tpu.memory_space<vmem>>) dst(%dma_wait3A_119 : memref<125x64xf32, #tpu.memory_space<vmem_shared>>)
      tpu.yield
    }) : () -> ()
    %add3A_16 = arith.constant 500 : i32
    %add3A_17 = arith.addi %mul3A_7, %add3A_16 : i32
    "tpu.region"() ({
      %run_scoped3A_102 = tpu.sem_alloc : memref<!tpu.dma_semaphore, #tpu.memory_space<semaphore_mem>>
      %dma_start3A_103 = arith.constant 0 : i32
      %dma_start3A_104 = arith.constant 0 : i32
      %dma_start3A_105 = tpu.memref_slice %arg8[%dma_start3A_103, %dma_start3A_104] : memref<128x64xf32, #tpu.memory_space<vmem>> -> memref<125x64xf32, #tpu.memory_space<vmem>>
      %dma_start3A_106 = arith.constant 0 : i32
      %dma_start3A_107 = tpu.memref_slice %arg17[%add3A_17, %dma_start3A_106] : memref<10016x64xf32, #tpu.memory_space<vmem_shared>> -> memref<125x64xf32, #tpu.memory_space<vmem_shared>>
      %dma_start3A_108 = arith.constant 0 : i32
      %dma_start3A_109 = tpu.memref_slice %arg17[%add3A_17, %dma_start3A_108] : memref<10016x64xf32, #tpu.memory_space<vmem_shared>> -> memref<125x64xf32, #tpu.memory_space<vmem_shared>>
      %dma_start3A_110 = arith.constant 0 : i32
      %dma_start3A_111 = arith.constant 0 : i32
      %dma_start3A_112 = tpu.memref_slice %arg8[%dma_start3A_110, %dma_start3A_111] : memref<128x64xf32, #tpu.memory_space<vmem>> -> memref<125x64xf32, #tpu.memory_space<vmem>>
      tpu.enqueue_dma source(%dma_start3A_112 : memref<125x64xf32, #tpu.memory_space<vmem>>) target(%dma_start3A_109 : memref<125x64xf32, #tpu.memory_space<vmem_shared>>) target_semaphore(%run_scoped3A_102 : memref<!tpu.dma_semaphore, #tpu.memory_space<semaphore_mem>>)
      %dma_wait3A_113 = arith.constant 0 : i32
      %dma_wait3A_114 = arith.constant 0 : i32
      %dma_wait3A_115 = tpu.memref_slice %arg8[%dma_wait3A_113, %dma_wait3A_114] : memref<128x64xf32, #tpu.memory_space<vmem>> -> memref<125x64xf32, #tpu.memory_space<vmem>>
      %dma_wait3A_116 = arith.constant 0 : i32
      %dma_wait3A_117 = tpu.memref_slice %arg17[%add3A_17, %dma_wait3A_116] : memref<10016x64xf32, #tpu.memory_space<vmem_shared>> -> memref<125x64xf32, #tpu.memory_space<vmem_shared>>
      %dma_wait3A_118 = arith.constant 0 : i32
      %dma_wait3A_119 = tpu.memref_slice %arg17[%add3A_17, %dma_wait3A_118] : memref<10016x64xf32, #tpu.memory_space<vmem_shared>> -> memref<125x64xf32, #tpu.memory_space<vmem_shared>>
      %dma_wait3A_120 = arith.constant 0 : i32
      %dma_wait3A_121 = arith.constant 0 : i32
      %dma_wait3A_122 = tpu.memref_slice %arg8[%dma_wait3A_120, %dma_wait3A_121] : memref<128x64xf32, #tpu.memory_space<vmem>> -> memref<125x64xf32, #tpu.memory_space<vmem>>
      tpu.wait_dma2 semaphore(%run_scoped3A_102 : memref<!tpu.dma_semaphore, #tpu.memory_space<semaphore_mem>>) src(%dma_wait3A_122 : memref<125x64xf32, #tpu.memory_space<vmem>>) dst(%dma_wait3A_119 : memref<125x64xf32, #tpu.memory_space<vmem_shared>>)
      tpu.yield
    }) : () -> ()
    %barrier3A = arith.constant 0 : index
    tpu.barrier barrier_id(%barrier3A)
    %dma_start3A = arith.constant 0 : i32
    %dma_start3A_18 = tpu.memref_slice %arg6[%dma_start3A] : memref<10000xi32, #tpu.memory_space<vmem>> -> memref<128xi32, #tpu.memory_space<vmem>>
    %dma_start3A_19 = arith.constant 0 : i32
    %dma_start3A_20 = arith.constant 0 : i32
    %dma_start3A_21 = tpu.memref_slice %arg18[%dma_start3A_19, %dma_start3A_20] : memref<10000x64xf32, #tpu.memory_space<vmem_shared>> -> memref<10000x64xf32, #tpu.memory_space<vmem_shared>>
    tpu.enqueue_indirect_dma source(%dma_start3A_21 : memref<10000x64xf32, #tpu.memory_space<vmem_shared>>) target(%arg8 : memref<128x64xf32, #tpu.memory_space<vmem>>) offsets(%dma_start3A_18 : memref<128xi32, #tpu.memory_space<vmem>>) semaphore(%arg11 : memref<!tpu.dma_semaphore, #tpu.memory_space<semaphore_mem>>)
    %dma_start3A_22 = arith.constant 128 : i32
    %dma_start3A_23 = tpu.memref_slice %arg6[%dma_start3A_22] : memref<10000xi32, #tpu.memory_space<vmem>> -> memref<128xi32, #tpu.memory_space<vmem>>
    %dma_start3A_24 = arith.constant 0 : i32
    %dma_start3A_25 = arith.constant 0 : i32
    %dma_start3A_26 = tpu.memref_slice %arg3[%dma_start3A_24, %dma_start3A_25] : memref<10000x64xf32, #tpu.memory_space<hbm>> -> memref<10000x64xf32, #tpu.memory_space<hbm>>
    tpu.enqueue_indirect_dma source(%dma_start3A_26 : memref<10000x64xf32, #tpu.memory_space<hbm>>) target(%arg9 : memref<128x64xf32, #tpu.memory_space<vmem>>) offsets(%dma_start3A_23 : memref<128xi32, #tpu.memory_space<vmem>>) semaphore(%arg12 : memref<!tpu.dma_semaphore, #tpu.memory_space<semaphore_mem>>)
    %dma_start3A_27 = arith.constant 256 : i32
    %dma_start3A_28 = tpu.memref_slice %arg6[%dma_start3A_27] : memref<10000xi32, #tpu.memory_space<vmem>> -> memref<128xi32, #tpu.memory_space<vmem>>
    %dma_start3A_29 = arith.constant 0 : i32
    %dma_start3A_30 = arith.constant 0 : i32
    %dma_start3A_31 = tpu.memref_slice %arg3[%dma_start3A_29, %dma_start3A_30] : memref<10000x64xf32, #tpu.memory_space<hbm>> -> memref<10000x64xf32, #tpu.memory_space<hbm>>
    tpu.enqueue_indirect_dma source(%dma_start3A_31 : memref<10000x64xf32, #tpu.memory_space<hbm>>) target(%arg10 : memref<128x64xf32, #tpu.memory_space<vmem>>) offsets(%dma_start3A_28 : memref<128xi32, #tpu.memory_space<vmem>>) semaphore(%arg13 : memref<!tpu.dma_semaphore, #tpu.memory_space<semaphore_mem>>)
    %scan3A = arith.constant 0 : i32
    %scan3A_32 = arith.constant 0 : i32
    %scan3A_33 = arith.constant 25 : i32
    %scan3A_34 = arith.addi %scan3A_32, %scan3A_33 : i32
    %scan3A_35 = arith.constant 1 : i32
    scf.for %scan3A_102 = %scan3A_32 to %scan3A_34 step %scan3A_35  : i32 {
      %mul3A_103 = arith.constant 3 : i32
      %mul3A_104 = arith.muli %scan3A_102, %mul3A_103 : i32
      %add3A_105 = arith.constant 0 : i32
      %add3A_106 = arith.addi %mul3A_104, %add3A_105 : i32
      %mul3A_107 = arith.constant 128 : i32
      %mul3A_108 = arith.muli %add3A_106, %mul3A_107 : i32
      %dma_wait3A_109 = tpu.memref_slice %arg6[%mul3A_108] : memref<10000xi32, #tpu.memory_space<vmem>> -> memref<128xi32, #tpu.memory_space<vmem>>
      %dma_wait3A_110 = arith.constant 0 : i32
      %dma_wait3A_111 = arith.constant 0 : i32
      %dma_wait3A_112 = tpu.memref_slice %arg18[%dma_wait3A_110, %dma_wait3A_111] : memref<10000x64xf32, #tpu.memory_space<vmem_shared>> -> memref<10000x64xf32, #tpu.memory_space<vmem_shared>>
      tpu.wait_indirect_dma semaphore(%arg11 : memref<!tpu.dma_semaphore, #tpu.memory_space<semaphore_mem>>) src(%dma_wait3A_112 : memref<10000x64xf32, #tpu.memory_space<vmem_shared>>) dst(%arg8 : memref<128x64xf32, #tpu.memory_space<vmem>>)
      %mul3A_113 = arith.constant 128 : i32
      %mul3A_114 = arith.muli %add3A_106, %mul3A_113 : i32
      %dma_start3A_115 = tpu.memref_slice %arg7[%mul3A_114] : memref<10000xi32, #tpu.memory_space<vmem>> -> memref<128xi32, #tpu.memory_space<vmem>>
      %dma_start3A_116 = arith.constant 0 : i32
      %dma_start3A_117 = arith.constant 0 : i32
      %dma_start3A_118 = tpu.memref_slice %arg17[%dma_start3A_116, %dma_start3A_117] : memref<10016x64xf32, #tpu.memory_space<vmem_shared>> -> memref<10016x64xf32, #tpu.memory_space<vmem_shared>>
      tpu.enqueue_indirect_dma source(%arg8 : memref<128x64xf32, #tpu.memory_space<vmem>>) target(%dma_start3A_118 : memref<10016x64xf32, #tpu.memory_space<vmem_shared>>) offsets(%dma_start3A_115 : memref<128xi32, #tpu.memory_space<vmem>>) semaphore(%arg14 : memref<!tpu.dma_semaphore, #tpu.memory_space<semaphore_mem>>) {add = true}
      %mul3A_119 = arith.constant 3 : i32
      %mul3A_120 = arith.muli %scan3A_102, %mul3A_119 : i32
      %add3A_121 = arith.constant 1 : i32
      %add3A_122 = arith.addi %mul3A_120, %add3A_121 : i32
      %mul3A_123 = arith.constant 128 : i32
      %mul3A_124 = arith.muli %add3A_122, %mul3A_123 : i32
      %dma_wait3A_125 = tpu.memref_slice %arg6[%mul3A_124] : memref<10000xi32, #tpu.memory_space<vmem>> -> memref<128xi32, #tpu.memory_space<vmem>>
      %dma_wait3A_126 = arith.constant 0 : i32
      %dma_wait3A_127 = arith.constant 0 : i32
      %dma_wait3A_128 = tpu.memref_slice %arg3[%dma_wait3A_126, %dma_wait3A_127] : memref<10000x64xf32, #tpu.memory_space<hbm>> -> memref<10000x64xf32, #tpu.memory_space<hbm>>
      tpu.wait_indirect_dma semaphore(%arg12 : memref<!tpu.dma_semaphore, #tpu.memory_space<semaphore_mem>>) src(%dma_wait3A_128 : memref<10000x64xf32, #tpu.memory_space<hbm>>) dst(%arg9 : memref<128x64xf32, #tpu.memory_space<vmem>>)
      %mul3A_129 = arith.constant 128 : i32
      %mul3A_130 = arith.muli %add3A_122, %mul3A_129 : i32
      %dma_start3A_131 = tpu.memref_slice %arg7[%mul3A_130] : memref<10000xi32, #tpu.memory_space<vmem>> -> memref<128xi32, #tpu.memory_space<vmem>>
      %dma_start3A_132 = arith.constant 0 : i32
      %dma_start3A_133 = arith.constant 0 : i32
      %dma_start3A_134 = tpu.memref_slice %arg17[%dma_start3A_132, %dma_start3A_133] : memref<10016x64xf32, #tpu.memory_space<vmem_shared>> -> memref<10016x64xf32, #tpu.memory_space<vmem_shared>>
      tpu.enqueue_indirect_dma source(%arg9 : memref<128x64xf32, #tpu.memory_space<vmem>>) target(%dma_start3A_134 : memref<10016x64xf32, #tpu.memory_space<vmem_shared>>) offsets(%dma_start3A_131 : memref<128xi32, #tpu.memory_space<vmem>>) semaphore(%arg15 : memref<!tpu.dma_semaphore, #tpu.memory_space<semaphore_mem>>) {add = true}
      %mul3A_135 = arith.constant 3 : i32
      %mul3A_136 = arith.muli %scan3A_102, %mul3A_135 : i32
      %add3A_137 = arith.constant 2 : i32
      %add3A_138 = arith.addi %mul3A_136, %add3A_137 : i32
      %mul3A_139 = arith.constant 128 : i32
      %mul3A_140 = arith.muli %add3A_138, %mul3A_139 : i32
      %dma_wait3A_141 = tpu.memref_slice %arg6[%mul3A_140] : memref<10000xi32, #tpu.memory_space<vmem>> -> memref<128xi32, #tpu.memory_space<vmem>>
      %dma_wait3A_142 = arith.constant 0 : i32
      %dma_wait3A_143 = arith.constant 0 : i32
      %dma_wait3A_144 = tpu.memref_slice %arg3[%dma_wait3A_142, %dma_wait3A_143] : memref<10000x64xf32, #tpu.memory_space<hbm>> -> memref<10000x64xf32, #tpu.memory_space<hbm>>
      tpu.wait_indirect_dma semaphore(%arg13 : memref<!tpu.dma_semaphore, #tpu.memory_space<semaphore_mem>>) src(%dma_wait3A_144 : memref<10000x64xf32, #tpu.memory_space<hbm>>) dst(%arg10 : memref<128x64xf32, #tpu.memory_space<vmem>>)
      %mul3A_145 = arith.constant 128 : i32
      %mul3A_146 = arith.muli %add3A_138, %mul3A_145 : i32
      %dma_start3A_147 = tpu.memref_slice %arg7[%mul3A_146] : memref<10000xi32, #tpu.memory_space<vmem>> -> memref<128xi32, #tpu.memory_space<vmem>>
      %dma_start3A_148 = arith.constant 0 : i32
      %dma_start3A_149 = arith.constant 0 : i32
      %dma_start3A_150 = tpu.memref_slice %arg17[%dma_start3A_148, %dma_start3A_149] : memref<10016x64xf32, #tpu.memory_space<vmem_shared>> -> memref<10016x64xf32, #tpu.memory_space<vmem_shared>>
      tpu.enqueue_indirect_dma source(%arg10 : memref<128x64xf32, #tpu.memory_space<vmem>>) target(%dma_start3A_150 : memref<10016x64xf32, #tpu.memory_space<vmem_shared>>) offsets(%dma_start3A_147 : memref<128xi32, #tpu.memory_space<vmem>>) semaphore(%arg16 : memref<!tpu.dma_semaphore, #tpu.memory_space<semaphore_mem>>) {add = true}
      %add3A_151 = arith.constant 1 : i32
      %add3A_152 = arith.addi %scan3A_102, %add3A_151 : i32
      %mul3A_153 = arith.constant 3 : i32
      %mul3A_154 = arith.muli %add3A_152, %mul3A_153 : i32
      %add3A_155 = arith.constant 0 : i32
      %add3A_156 = arith.addi %mul3A_154, %add3A_155 : i32
      %dma_wait3A_157 = tpu.memref_slice %arg7[%mul3A_114] : memref<10000xi32, #tpu.memory_space<vmem>> -> memref<128xi32, #tpu.memory_space<vmem>>
      %dma_wait3A_158 = arith.constant 0 : i32
      %dma_wait3A_159 = arith.constant 0 : i32
      %dma_wait3A_160 = tpu.memref_slice %arg17[%dma_wait3A_158, %dma_wait3A_159] : memref<10016x64xf32, #tpu.memory_space<vmem_shared>> -> memref<10016x64xf32, #tpu.memory_space<vmem_shared>>
      tpu.wait_indirect_dma semaphore(%arg14 : memref<!tpu.dma_semaphore, #tpu.memory_space<semaphore_mem>>) src(%arg8 : memref<128x64xf32, #tpu.memory_space<vmem>>) dst(%dma_wait3A_160 : memref<10016x64xf32, #tpu.memory_space<vmem_shared>>)
      %mul3A_161 = arith.constant 128 : i32
      %mul3A_162 = arith.muli %add3A_156, %mul3A_161 : i32
      %dma_start3A_163 = tpu.memref_slice %arg6[%mul3A_162] : memref<10000xi32, #tpu.memory_space<vmem>> -> memref<128xi32, #tpu.memory_space<vmem>>
      %dma_start3A_164 = arith.constant 0 : i32
      %dma_start3A_165 = arith.constant 0 : i32
      %dma_start3A_166 = tpu.memref_slice %arg18[%dma_start3A_164, %dma_start3A_165] : memref<10000x64xf32, #tpu.memory_space<vmem_shared>> -> memref<10000x64xf32, #tpu.memory_space<vmem_shared>>
      tpu.enqueue_indirect_dma source(%dma_start3A_166 : memref<10000x64xf32, #tpu.memory_space<vmem_shared>>) target(%arg8 : memref<128x64xf32, #tpu.memory_space<vmem>>) offsets(%dma_start3A_163 : memref<128xi32, #tpu.memory_space<vmem>>) semaphore(%arg11 : memref<!tpu.dma_semaphore, #tpu.memory_space<semaphore_mem>>)
      %add3A_167 = arith.constant 1 : i32
      %add3A_168 = arith.addi %scan3A_102, %add3A_167 : i32
      %mul3A_169 = arith.constant 3 : i32
      %mul3A_170 = arith.muli %add3A_168, %mul3A_169 : i32
      %add3A_171 = arith.constant 1 : i32
      %add3A_172 = arith.addi %mul3A_170, %add3A_171 : i32
      %dma_wait3A_173 = tpu.memref_slice %arg7[%mul3A_130] : memref<10000xi32, #tpu.memory_space<vmem>> -> memref<128xi32, #tpu.memory_space<vmem>>
      %dma_wait3A_174 = arith.constant 0 : i32
      %dma_wait3A_175 = arith.constant 0 : i32
      %dma_wait3A_176 = tpu.memref_slice %arg17[%dma_wait3A_174, %dma_wait3A_175] : memref<10016x64xf32, #tpu.memory_space<vmem_shared>> -> memref<10016x64xf32, #tpu.memory_space<vmem_shared>>
      tpu.wait_indirect_dma semaphore(%arg15 : memref<!tpu.dma_semaphore, #tpu.memory_space<semaphore_mem>>) src(%arg9 : memref<128x64xf32, #tpu.memory_space<vmem>>) dst(%dma_wait3A_176 : memref<10016x64xf32, #tpu.memory_space<vmem_shared>>)
      %mul3A_177 = arith.constant 128 : i32
      %mul3A_178 = arith.muli %add3A_172, %mul3A_177 : i32
      %dma_start3A_179 = tpu.memref_slice %arg6[%mul3A_178] : memref<10000xi32, #tpu.memory_space<vmem>> -> memref<128xi32, #tpu.memory_space<vmem>>
      %dma_start3A_180 = arith.constant 0 : i32
      %dma_start3A_181 = arith.constant 0 : i32
      %dma_start3A_182 = tpu.memref_slice %arg3[%dma_start3A_180, %dma_start3A_181] : memref<10000x64xf32, #tpu.memory_space<hbm>> -> memref<10000x64xf32, #tpu.memory_space<hbm>>
      tpu.enqueue_indirect_dma source(%dma_start3A_182 : memref<10000x64xf32, #tpu.memory_space<hbm>>) target(%arg9 : memref<128x64xf32, #tpu.memory_space<vmem>>) offsets(%dma_start3A_179 : memref<128xi32, #tpu.memory_space<vmem>>) semaphore(%arg12 : memref<!tpu.dma_semaphore, #tpu.memory_space<semaphore_mem>>)
      %add3A_183 = arith.constant 1 : i32
      %add3A_184 = arith.addi %scan3A_102, %add3A_183 : i32
      %mul3A_185 = arith.constant 3 : i32
      %mul3A_186 = arith.muli %add3A_184, %mul3A_185 : i32
      %add3A_187 = arith.constant 2 : i32
      %add3A_188 = arith.addi %mul3A_186, %add3A_187 : i32
      %dma_wait3A_189 = tpu.memref_slice %arg7[%mul3A_146] : memref<10000xi32, #tpu.memory_space<vmem>> -> memref<128xi32, #tpu.memory_space<vmem>>
      %dma_wait3A_190 = arith.constant 0 : i32
      %dma_wait3A_191 = arith.constant 0 : i32
      %dma_wait3A_192 = tpu.memref_slice %arg17[%dma_wait3A_190, %dma_wait3A_191] : memref<10016x64xf32, #tpu.memory_space<vmem_shared>> -> memref<10016x64xf32, #tpu.memory_space<vmem_shared>>
      tpu.wait_indirect_dma semaphore(%arg16 : memref<!tpu.dma_semaphore, #tpu.memory_space<semaphore_mem>>) src(%arg10 : memref<128x64xf32, #tpu.memory_space<vmem>>) dst(%dma_wait3A_192 : memref<10016x64xf32, #tpu.memory_space<vmem_shared>>)
      %mul3A_193 = arith.constant 128 : i32
      %mul3A_194 = arith.muli %add3A_188, %mul3A_193 : i32
      %dma_start3A_195 = tpu.memref_slice %arg6[%mul3A_194] : memref<10000xi32, #tpu.memory_space<vmem>> -> memref<128xi32, #tpu.memory_space<vmem>>
      %dma_start3A_196 = arith.constant 0 : i32
      %dma_start3A_197 = arith.constant 0 : i32
      %dma_start3A_198 = tpu.memref_slice %arg3[%dma_start3A_196, %dma_start3A_197] : memref<10000x64xf32, #tpu.memory_space<hbm>> -> memref<10000x64xf32, #tpu.memory_space<hbm>>
      tpu.enqueue_indirect_dma source(%dma_start3A_198 : memref<10000x64xf32, #tpu.memory_space<hbm>>) target(%arg10 : memref<128x64xf32, #tpu.memory_space<vmem>>) offsets(%dma_start3A_195 : memref<128xi32, #tpu.memory_space<vmem>>) semaphore(%arg13 : memref<!tpu.dma_semaphore, #tpu.memory_space<semaphore_mem>>)
    }
    %scan3A_36 = arith.constant 25 : i32
    %dma_wait3A = arith.constant 9600 : i32
    %dma_wait3A_37 = tpu.memref_slice %arg6[%dma_wait3A] : memref<10000xi32, #tpu.memory_space<vmem>> -> memref<128xi32, #tpu.memory_space<vmem>>
    %dma_wait3A_38 = arith.constant 0 : i32
    %dma_wait3A_39 = arith.constant 0 : i32
    %dma_wait3A_40 = tpu.memref_slice %arg18[%dma_wait3A_38, %dma_wait3A_39] : memref<10000x64xf32, #tpu.memory_space<vmem_shared>> -> memref<10000x64xf32, #tpu.memory_space<vmem_shared>>
    tpu.wait_indirect_dma semaphore(%arg11 : memref<!tpu.dma_semaphore, #tpu.memory_space<semaphore_mem>>) src(%dma_wait3A_40 : memref<10000x64xf32, #tpu.memory_space<vmem_shared>>) dst(%arg8 : memref<128x64xf32, #tpu.memory_space<vmem>>)
    %dma_start3A_41 = arith.constant 9600 : i32
    %dma_start3A_42 = tpu.memref_slice %arg7[%dma_start3A_41] : memref<10000xi32, #tpu.memory_space<vmem>> -> memref<128xi32, #tpu.memory_space<vmem>>
    %dma_start3A_43 = arith.constant 0 : i32
    %dma_start3A_44 = arith.constant 0 : i32
    %dma_start3A_45 = tpu.memref_slice %arg17[%dma_start3A_43, %dma_start3A_44] : memref<10016x64xf32, #tpu.memory_space<vmem_shared>> -> memref<10016x64xf32, #tpu.memory_space<vmem_shared>>
    tpu.enqueue_indirect_dma source(%arg8 : memref<128x64xf32, #tpu.memory_space<vmem>>) target(%dma_start3A_45 : memref<10016x64xf32, #tpu.memory_space<vmem_shared>>) offsets(%dma_start3A_42 : memref<128xi32, #tpu.memory_space<vmem>>) semaphore(%arg14 : memref<!tpu.dma_semaphore, #tpu.memory_space<semaphore_mem>>) {add = true}
    %dma_wait3A_46 = arith.constant 9728 : i32
    %dma_wait3A_47 = tpu.memref_slice %arg6[%dma_wait3A_46] : memref<10000xi32, #tpu.memory_space<vmem>> -> memref<128xi32, #tpu.memory_space<vmem>>
    %dma_wait3A_48 = arith.constant 0 : i32
    %dma_wait3A_49 = arith.constant 0 : i32
    %dma_wait3A_50 = tpu.memref_slice %arg3[%dma_wait3A_48, %dma_wait3A_49] : memref<10000x64xf32, #tpu.memory_space<hbm>> -> memref<10000x64xf32, #tpu.memory_space<hbm>>
    tpu.wait_indirect_dma semaphore(%arg12 : memref<!tpu.dma_semaphore, #tpu.memory_space<semaphore_mem>>) src(%dma_wait3A_50 : memref<10000x64xf32, #tpu.memory_space<hbm>>) dst(%arg9 : memref<128x64xf32, #tpu.memory_space<vmem>>)
    %dma_start3A_51 = arith.constant 9728 : i32
    %dma_start3A_52 = tpu.memref_slice %arg7[%dma_start3A_51] : memref<10000xi32, #tpu.memory_space<vmem>> -> memref<128xi32, #tpu.memory_space<vmem>>
    %dma_start3A_53 = arith.constant 0 : i32
    %dma_start3A_54 = arith.constant 0 : i32
    %dma_start3A_55 = tpu.memref_slice %arg17[%dma_start3A_53, %dma_start3A_54] : memref<10016x64xf32, #tpu.memory_space<vmem_shared>> -> memref<10016x64xf32, #tpu.memory_space<vmem_shared>>
    tpu.enqueue_indirect_dma source(%arg9 : memref<128x64xf32, #tpu.memory_space<vmem>>) target(%dma_start3A_55 : memref<10016x64xf32, #tpu.memory_space<vmem_shared>>) offsets(%dma_start3A_52 : memref<128xi32, #tpu.memory_space<vmem>>) semaphore(%arg15 : memref<!tpu.dma_semaphore, #tpu.memory_space<semaphore_mem>>) {add = true}
    %dma_wait3A_56 = arith.constant 9856 : i32
    %dma_wait3A_57 = tpu.memref_slice %arg6[%dma_wait3A_56] : memref<10000xi32, #tpu.memory_space<vmem>> -> memref<128xi32, #tpu.memory_space<vmem>>
    %dma_wait3A_58 = arith.constant 0 : i32
    %dma_wait3A_59 = arith.constant 0 : i32
    %dma_wait3A_60 = tpu.memref_slice %arg3[%dma_wait3A_58, %dma_wait3A_59] : memref<10000x64xf32, #tpu.memory_space<hbm>> -> memref<10000x64xf32, #tpu.memory_space<hbm>>
    tpu.wait_indirect_dma semaphore(%arg13 : memref<!tpu.dma_semaphore, #tpu.memory_space<semaphore_mem>>) src(%dma_wait3A_60 : memref<10000x64xf32, #tpu.memory_space<hbm>>) dst(%arg10 : memref<128x64xf32, #tpu.memory_space<vmem>>)
    %dma_start3A_61 = arith.constant 9856 : i32
    %dma_start3A_62 = tpu.memref_slice %arg7[%dma_start3A_61] : memref<10000xi32, #tpu.memory_space<vmem>> -> memref<128xi32, #tpu.memory_space<vmem>>
    %dma_start3A_63 = arith.constant 0 : i32
    %dma_start3A_64 = arith.constant 0 : i32
    %dma_start3A_65 = tpu.memref_slice %arg17[%dma_start3A_63, %dma_start3A_64] : memref<10016x64xf32, #tpu.memory_space<vmem_shared>> -> memref<10016x64xf32, #tpu.memory_space<vmem_shared>>
    tpu.enqueue_indirect_dma source(%arg10 : memref<128x64xf32, #tpu.memory_space<vmem>>) target(%dma_start3A_65 : memref<10016x64xf32, #tpu.memory_space<vmem_shared>>) offsets(%dma_start3A_62 : memref<128xi32, #tpu.memory_space<vmem>>) semaphore(%arg16 : memref<!tpu.dma_semaphore, #tpu.memory_space<semaphore_mem>>) {add = true}
    %dma_wait3A_66 = arith.constant 9600 : i32
    %dma_wait3A_67 = tpu.memref_slice %arg7[%dma_wait3A_66] : memref<10000xi32, #tpu.memory_space<vmem>> -> memref<128xi32, #tpu.memory_space<vmem>>
    %dma_wait3A_68 = arith.constant 0 : i32
    %dma_wait3A_69 = arith.constant 0 : i32
    %dma_wait3A_70 = tpu.memref_slice %arg17[%dma_wait3A_68, %dma_wait3A_69] : memref<10016x64xf32, #tpu.memory_space<vmem_shared>> -> memref<10016x64xf32, #tpu.memory_space<vmem_shared>>
    tpu.wait_indirect_dma semaphore(%arg14 : memref<!tpu.dma_semaphore, #tpu.memory_space<semaphore_mem>>) src(%arg8 : memref<128x64xf32, #tpu.memory_space<vmem>>) dst(%dma_wait3A_70 : memref<10016x64xf32, #tpu.memory_space<vmem_shared>>)
    %dma_wait3A_71 = arith.constant 9728 : i32
    %dma_wait3A_72 = tpu.memref_slice %arg7[%dma_wait3A_71] : memref<10000xi32, #tpu.memory_space<vmem>> -> memref<128xi32, #tpu.memory_space<vmem>>
    %dma_wait3A_73 = arith.constant 0 : i32
    %dma_wait3A_74 = arith.constant 0 : i32
    %dma_wait3A_75 = tpu.memref_slice %arg17[%dma_wait3A_73, %dma_wait3A_74] : memref<10016x64xf32, #tpu.memory_space<vmem_shared>> -> memref<10016x64xf32, #tpu.memory_space<vmem_shared>>
    tpu.wait_indirect_dma semaphore(%arg15 : memref<!tpu.dma_semaphore, #tpu.memory_space<semaphore_mem>>) src(%arg9 : memref<128x64xf32, #tpu.memory_space<vmem>>) dst(%dma_wait3A_75 : memref<10016x64xf32, #tpu.memory_space<vmem_shared>>)
    %dma_wait3A_76 = arith.constant 9856 : i32
    %dma_wait3A_77 = tpu.memref_slice %arg7[%dma_wait3A_76] : memref<10000xi32, #tpu.memory_space<vmem>> -> memref<128xi32, #tpu.memory_space<vmem>>
    %dma_wait3A_78 = arith.constant 0 : i32
    %dma_wait3A_79 = arith.constant 0 : i32
    %dma_wait3A_80 = tpu.memref_slice %arg17[%dma_wait3A_78, %dma_wait3A_79] : memref<10016x64xf32, #tpu.memory_space<vmem_shared>> -> memref<10016x64xf32, #tpu.memory_space<vmem_shared>>
    tpu.wait_indirect_dma semaphore(%arg16 : memref<!tpu.dma_semaphore, #tpu.memory_space<semaphore_mem>>) src(%arg10 : memref<128x64xf32, #tpu.memory_space<vmem>>) dst(%dma_wait3A_80 : memref<10016x64xf32, #tpu.memory_space<vmem_shared>>)
    "tpu.region"() ({
      %run_scoped3A_102 = tpu.sem_alloc : memref<!tpu.dma_semaphore, #tpu.memory_space<semaphore_mem>>
      %dma_start3A_103 = arith.constant 0 : i32
      %dma_start3A_104 = arith.constant 0 : i32
      %dma_start3A_105 = tpu.memref_slice %arg8[%dma_start3A_103, %dma_start3A_104] : memref<128x64xf32, #tpu.memory_space<vmem>> -> memref<16x64xf32, #tpu.memory_space<vmem>>
      %dma_start3A_106 = arith.constant 9984 : i32
      %dma_start3A_107 = tpu.memref_slice %arg6[%dma_start3A_106] : memref<10000xi32, #tpu.memory_space<vmem>> -> memref<16xi32, #tpu.memory_space<vmem>>
      %dma_start3A_108 = arith.constant 0 : i32
      %dma_start3A_109 = arith.constant 0 : i32
      %dma_start3A_110 = tpu.memref_slice %arg18[%dma_start3A_108, %dma_start3A_109] : memref<10000x64xf32, #tpu.memory_space<vmem_shared>> -> memref<10000x64xf32, #tpu.memory_space<vmem_shared>>
      tpu.enqueue_indirect_dma source(%dma_start3A_110 : memref<10000x64xf32, #tpu.memory_space<vmem_shared>>) target(%dma_start3A_105 : memref<16x64xf32, #tpu.memory_space<vmem>>) offsets(%dma_start3A_107 : memref<16xi32, #tpu.memory_space<vmem>>) semaphore(%run_scoped3A_102 : memref<!tpu.dma_semaphore, #tpu.memory_space<semaphore_mem>>)
      %dma_wait3A_111 = arith.constant 0 : i32
      %dma_wait3A_112 = arith.constant 0 : i32
      %dma_wait3A_113 = tpu.memref_slice %arg8[%dma_wait3A_111, %dma_wait3A_112] : memref<128x64xf32, #tpu.memory_space<vmem>> -> memref<16x64xf32, #tpu.memory_space<vmem>>
      %dma_wait3A_114 = arith.constant 9984 : i32
      %dma_wait3A_115 = tpu.memref_slice %arg6[%dma_wait3A_114] : memref<10000xi32, #tpu.memory_space<vmem>> -> memref<16xi32, #tpu.memory_space<vmem>>
      %dma_wait3A_116 = arith.constant 0 : i32
      %dma_wait3A_117 = arith.constant 0 : i32
      %dma_wait3A_118 = tpu.memref_slice %arg18[%dma_wait3A_116, %dma_wait3A_117] : memref<10000x64xf32, #tpu.memory_space<vmem_shared>> -> memref<10000x64xf32, #tpu.memory_space<vmem_shared>>
      tpu.wait_indirect_dma semaphore(%run_scoped3A_102 : memref<!tpu.dma_semaphore, #tpu.memory_space<semaphore_mem>>) src(%dma_wait3A_118 : memref<10000x64xf32, #tpu.memory_space<vmem_shared>>) dst(%dma_wait3A_113 : memref<16x64xf32, #tpu.memory_space<vmem>>)
      tpu.yield
    }) : () -> ()
    "tpu.region"() ({
      %run_scoped3A_102 = tpu.sem_alloc : memref<!tpu.dma_semaphore, #tpu.memory_space<semaphore_mem>>
      %dma_start3A_103 = arith.constant 0 : i32
      %dma_start3A_104 = arith.constant 0 : i32
      %dma_start3A_105 = tpu.memref_slice %arg8[%dma_start3A_103, %dma_start3A_104] : memref<128x64xf32, #tpu.memory_space<vmem>> -> memref<16x64xf32, #tpu.memory_space<vmem>>
      %dma_start3A_106 = arith.constant 9984 : i32
      %dma_start3A_107 = tpu.memref_slice %arg7[%dma_start3A_106] : memref<10000xi32, #tpu.memory_space<vmem>> -> memref<16xi32, #tpu.memory_space<vmem>>
      %dma_start3A_108 = arith.constant 0 : i32
      %dma_start3A_109 = arith.constant 0 : i32
      %dma_start3A_110 = tpu.memref_slice %arg17[%dma_start3A_108, %dma_start3A_109] : memref<10016x64xf32, #tpu.memory_space<vmem_shared>> -> memref<10016x64xf32, #tpu.memory_space<vmem_shared>>
      tpu.enqueue_indirect_dma source(%dma_start3A_105 : memref<16x64xf32, #tpu.memory_space<vmem>>) target(%dma_start3A_110 : memref<10016x64xf32, #tpu.memory_space<vmem_shared>>) offsets(%dma_start3A_107 : memref<16xi32, #tpu.memory_space<vmem>>) semaphore(%run_scoped3A_102 : memref<!tpu.dma_semaphore, #tpu.memory_space<semaphore_mem>>) {add = true}
      %dma_wait3A_111 = arith.constant 0 : i32
      %dma_wait3A_112 = arith.constant 0 : i32
      %dma_wait3A_113 = tpu.memref_slice %arg8[%dma_wait3A_111, %dma_wait3A_112] : memref<128x64xf32, #tpu.memory_space<vmem>> -> memref<16x64xf32, #tpu.memory_space<vmem>>
      %dma_wait3A_114 = arith.constant 9984 : i32
      %dma_wait3A_115 = tpu.memref_slice %arg7[%dma_wait3A_114] : memref<10000xi32, #tpu.memory_space<vmem>> -> memref<16xi32, #tpu.memory_space<vmem>>
      %dma_wait3A_116 = arith.constant 0 : i32
      %dma_wait3A_117 = arith.constant 0 : i32
      %dma_wait3A_118 = tpu.memref_slice %arg17[%dma_wait3A_116, %dma_wait3A_117] : memref<10016x64xf32, #tpu.memory_space<vmem_shared>> -> memref<10016x64xf32, #tpu.memory_space<vmem_shared>>
      tpu.wait_indirect_dma semaphore(%run_scoped3A_102 : memref<!tpu.dma_semaphore, #tpu.memory_space<semaphore_mem>>) src(%dma_wait3A_113 : memref<16x64xf32, #tpu.memory_space<vmem>>) dst(%dma_wait3A_118 : memref<10016x64xf32, #tpu.memory_space<vmem_shared>>)
      tpu.yield
    }) : () -> ()
    %barrier3A_81 = arith.constant 0 : index
    tpu.barrier barrier_id(%barrier3A_81)
    %add3A_82 = arith.constant 0 : i32
    %add3A_83 = arith.addi %mul3A_7, %add3A_82 : i32
    "tpu.region"() ({
      %run_scoped3A_102 = tpu.sem_alloc : memref<!tpu.dma_semaphore, #tpu.memory_space<semaphore_mem>>
      %dma_start3A_103 = arith.constant 0 : i32
      %dma_start3A_104 = arith.constant 0 : i32
      %dma_start3A_105 = tpu.memref_slice %arg8[%dma_start3A_103, %dma_start3A_104] : memref<128x64xf32, #tpu.memory_space<vmem>> -> memref<125x64xf32, #tpu.memory_space<vmem>>
      %dma_start3A_106 = arith.constant 0 : i32
      %dma_start3A_107 = tpu.memref_slice %arg17[%add3A_83, %dma_start3A_106] : memref<10016x64xf32, #tpu.memory_space<vmem_shared>> -> memref<125x64xf32, #tpu.memory_space<vmem_shared>>
      %dma_start3A_108 = arith.constant 0 : i32
      %dma_start3A_109 = arith.constant 0 : i32
      %dma_start3A_110 = tpu.memref_slice %arg8[%dma_start3A_108, %dma_start3A_109] : memref<128x64xf32, #tpu.memory_space<vmem>> -> memref<125x64xf32, #tpu.memory_space<vmem>>
      %dma_start3A_111 = arith.constant 0 : i32
      %dma_start3A_112 = tpu.memref_slice %arg17[%add3A_83, %dma_start3A_111] : memref<10016x64xf32, #tpu.memory_space<vmem_shared>> -> memref<125x64xf32, #tpu.memory_space<vmem_shared>>
      tpu.enqueue_dma source(%dma_start3A_112 : memref<125x64xf32, #tpu.memory_space<vmem_shared>>) target(%dma_start3A_110 : memref<125x64xf32, #tpu.memory_space<vmem>>) target_semaphore(%run_scoped3A_102 : memref<!tpu.dma_semaphore, #tpu.memory_space<semaphore_mem>>)
      %dma_wait3A_113 = arith.constant 0 : i32
      %dma_wait3A_114 = arith.constant 0 : i32
      %dma_wait3A_115 = tpu.memref_slice %arg8[%dma_wait3A_113, %dma_wait3A_114] : memref<128x64xf32, #tpu.memory_space<vmem>> -> memref<125x64xf32, #tpu.memory_space<vmem>>
      %dma_wait3A_116 = arith.constant 0 : i32
      %dma_wait3A_117 = tpu.memref_slice %arg17[%add3A_83, %dma_wait3A_116] : memref<10016x64xf32, #tpu.memory_space<vmem_shared>> -> memref<125x64xf32, #tpu.memory_space<vmem_shared>>
      %dma_wait3A_118 = arith.constant 0 : i32
      %dma_wait3A_119 = arith.constant 0 : i32
      %dma_wait3A_120 = tpu.memref_slice %arg8[%dma_wait3A_118, %dma_wait3A_119] : memref<128x64xf32, #tpu.memory_space<vmem>> -> memref<125x64xf32, #tpu.memory_space<vmem>>
      %dma_wait3A_121 = arith.constant 0 : i32
      %dma_wait3A_122 = tpu.memref_slice %arg17[%add3A_83, %dma_wait3A_121] : memref<10016x64xf32, #tpu.memory_space<vmem_shared>> -> memref<125x64xf32, #tpu.memory_space<vmem_shared>>
      tpu.wait_dma2 semaphore(%run_scoped3A_102 : memref<!tpu.dma_semaphore, #tpu.memory_space<semaphore_mem>>) src(%dma_wait3A_122 : memref<125x64xf32, #tpu.memory_space<vmem_shared>>) dst(%dma_wait3A_120 : memref<125x64xf32, #tpu.memory_space<vmem>>)
      tpu.yield
    }) : () -> ()
    %add3A_84 = arith.constant 0 : i32
    %add3A_85 = arith.addi %mul3A_7, %add3A_84 : i32
    "tpu.region"() ({
      %run_scoped3A_102 = tpu.sem_alloc : memref<!tpu.dma_semaphore, #tpu.memory_space<semaphore_mem>>
      %dma_start3A_103 = arith.constant 0 : i32
      %dma_start3A_104 = arith.constant 0 : i32
      %dma_start3A_105 = tpu.memref_slice %arg8[%dma_start3A_103, %dma_start3A_104] : memref<128x64xf32, #tpu.memory_space<vmem>> -> memref<125x64xf32, #tpu.memory_space<vmem>>
      %dma_start3A_106 = arith.constant 0 : i32
      %dma_start3A_107 = tpu.memref_slice %arg5[%arg0, %add3A_85, %dma_start3A_106] : memref<2x10000x64xf32, #tpu.memory_space<hbm>> -> memref<1x125x64xf32, #tpu.memory_space<hbm>>
      %dma_start3A_108 = tpu.memref_squeeze %dma_start3A_107 : memref<1x125x64xf32, #tpu.memory_space<hbm>> -> memref<125x64xf32, #tpu.memory_space<hbm>>
      %dma_start3A_109 = arith.constant 0 : i32
      %dma_start3A_110 = tpu.memref_slice %arg5[%arg0, %add3A_85, %dma_start3A_109] : memref<2x10000x64xf32, #tpu.memory_space<hbm>> -> memref<1x125x64xf32, #tpu.memory_space<hbm>>
      %dma_start3A_111 = tpu.memref_squeeze %dma_start3A_110 : memref<1x125x64xf32, #tpu.memory_space<hbm>> -> memref<125x64xf32, #tpu.memory_space<hbm>>
      %dma_start3A_112 = arith.constant 0 : i32
      %dma_start3A_113 = arith.constant 0 : i32
      %dma_start3A_114 = tpu.memref_slice %arg8[%dma_start3A_112, %dma_start3A_113] : memref<128x64xf32, #tpu.memory_space<vmem>> -> memref<125x64xf32, #tpu.memory_space<vmem>>
      tpu.enqueue_dma source(%dma_start3A_114 : memref<125x64xf32, #tpu.memory_space<vmem>>) target(%dma_start3A_111 : memref<125x64xf32, #tpu.memory_space<hbm>>) target_semaphore(%run_scoped3A_102 : memref<!tpu.dma_semaphore, #tpu.memory_space<semaphore_mem>>)
      %dma_wait3A_115 = arith.constant 0 : i32
      %dma_wait3A_116 = arith.constant 0 : i32
      %dma_wait3A_117 = tpu.memref_slice %arg8[%dma_wait3A_115, %dma_wait3A_116] : memref<128x64xf32, #tpu.memory_space<vmem>> -> memref<125x64xf32, #tpu.memory_space<vmem>>
      %dma_wait3A_118 = arith.constant 0 : i32
      %dma_wait3A_119 = tpu.memref_slice %arg5[%arg0, %add3A_85, %dma_wait3A_118] : memref<2x10000x64xf32, #tpu.memory_space<hbm>> -> memref<1x125x64xf32, #tpu.memory_space<hbm>>
      %dma_wait3A_120 = tpu.memref_squeeze %dma_wait3A_119 : memref<1x125x64xf32, #tpu.memory_space<hbm>> -> memref<125x64xf32, #tpu.memory_space<hbm>>
      %dma_wait3A_121 = arith.constant 0 : i32
      %dma_wait3A_122 = tpu.memref_slice %arg5[%arg0, %add3A_85, %dma_wait3A_121] : memref<2x10000x64xf32, #tpu.memory_space<hbm>> -> memref<1x125x64xf32, #tpu.memory_space<hbm>>
      %dma_wait3A_123 = tpu.memref_squeeze %dma_wait3A_122 : memref<1x125x64xf32, #tpu.memory_space<hbm>> -> memref<125x64xf32, #tpu.memory_space<hbm>>
      %dma_wait3A_124 = arith.constant 0 : i32
      %dma_wait3A_125 = arith.constant 0 : i32
      %dma_wait3A_126 = tpu.memref_slice %arg8[%dma_wait3A_124, %dma_wait3A_125] : memref<128x64xf32, #tpu.memory_space<vmem>> -> memref<125x64xf32, #tpu.memory_space<vmem>>
      tpu.wait_dma2 semaphore(%run_scoped3A_102 : memref<!tpu.dma_semaphore, #tpu.memory_space<semaphore_mem>>) src(%dma_wait3A_126 : memref<125x64xf32, #tpu.memory_space<vmem>>) dst(%dma_wait3A_123 : memref<125x64xf32, #tpu.memory_space<hbm>>)
      tpu.yield
    }) : () -> ()
    %add3A_86 = arith.constant 125 : i32
    %add3A_87 = arith.addi %mul3A_7, %add3A_86 : i32
    "tpu.region"() ({
      %run_scoped3A_102 = tpu.sem_alloc : memref<!tpu.dma_semaphore, #tpu.memory_space<semaphore_mem>>
      %dma_start3A_103 = arith.constant 0 : i32
      %dma_start3A_104 = arith.constant 0 : i32
      %dma_start3A_105 = tpu.memref_slice %arg9[%dma_start3A_103, %dma_start3A_104] : memref<128x64xf32, #tpu.memory_space<vmem>> -> memref<125x64xf32, #tpu.memory_space<vmem>>
      %dma_start3A_106 = arith.constant 0 : i32
      %dma_start3A_107 = tpu.memref_slice %arg17[%add3A_87, %dma_start3A_106] : memref<10016x64xf32, #tpu.memory_space<vmem_shared>> -> memref<125x64xf32, #tpu.memory_space<vmem_shared>>
      %dma_start3A_108 = arith.constant 0 : i32
      %dma_start3A_109 = arith.constant 0 : i32
      %dma_start3A_110 = tpu.memref_slice %arg9[%dma_start3A_108, %dma_start3A_109] : memref<128x64xf32, #tpu.memory_space<vmem>> -> memref<125x64xf32, #tpu.memory_space<vmem>>
      %dma_start3A_111 = arith.constant 0 : i32
      %dma_start3A_112 = tpu.memref_slice %arg17[%add3A_87, %dma_start3A_111] : memref<10016x64xf32, #tpu.memory_space<vmem_shared>> -> memref<125x64xf32, #tpu.memory_space<vmem_shared>>
      tpu.enqueue_dma source(%dma_start3A_112 : memref<125x64xf32, #tpu.memory_space<vmem_shared>>) target(%dma_start3A_110 : memref<125x64xf32, #tpu.memory_space<vmem>>) target_semaphore(%run_scoped3A_102 : memref<!tpu.dma_semaphore, #tpu.memory_space<semaphore_mem>>)
      %dma_wait3A_113 = arith.constant 0 : i32
      %dma_wait3A_114 = arith.constant 0 : i32
      %dma_wait3A_115 = tpu.memref_slice %arg9[%dma_wait3A_113, %dma_wait3A_114] : memref<128x64xf32, #tpu.memory_space<vmem>> -> memref<125x64xf32, #tpu.memory_space<vmem>>
      %dma_wait3A_116 = arith.constant 0 : i32
      %dma_wait3A_117 = tpu.memref_slice %arg17[%add3A_87, %dma_wait3A_116] : memref<10016x64xf32, #tpu.memory_space<vmem_shared>> -> memref<125x64xf32, #tpu.memory_space<vmem_shared>>
      %dma_wait3A_118 = arith.constant 0 : i32
      %dma_wait3A_119 = arith.constant 0 : i32
      %dma_wait3A_120 = tpu.memref_slice %arg9[%dma_wait3A_118, %dma_wait3A_119] : memref<128x64xf32, #tpu.memory_space<vmem>> -> memref<125x64xf32, #tpu.memory_space<vmem>>
      %dma_wait3A_121 = arith.constant 0 : i32
      %dma_wait3A_122 = tpu.memref_slice %arg17[%add3A_87, %dma_wait3A_121] : memref<10016x64xf32, #tpu.memory_space<vmem_shared>> -> memref<125x64xf32, #tpu.memory_space<vmem_shared>>
      tpu.wait_dma2 semaphore(%run_scoped3A_102 : memref<!tpu.dma_semaphore, #tpu.memory_space<semaphore_mem>>) src(%dma_wait3A_122 : memref<125x64xf32, #tpu.memory_space<vmem_shared>>) dst(%dma_wait3A_120 : memref<125x64xf32, #tpu.memory_space<vmem>>)
      tpu.yield
    }) : () -> ()
    %add3A_88 = arith.constant 125 : i32
    %add3A_89 = arith.addi %mul3A_7, %add3A_88 : i32
    "tpu.region"() ({
      %run_scoped3A_102 = tpu.sem_alloc : memref<!tpu.dma_semaphore, #tpu.memory_space<semaphore_mem>>
      %dma_start3A_103 = arith.constant 0 : i32
      %dma_start3A_104 = arith.constant 0 : i32
      %dma_start3A_105 = tpu.memref_slice %arg9[%dma_start3A_103, %dma_start3A_104] : memref<128x64xf32, #tpu.memory_space<vmem>> -> memref<125x64xf32, #tpu.memory_space<vmem>>
      %dma_start3A_106 = arith.constant 0 : i32
      %dma_start3A_107 = tpu.memref_slice %arg5[%arg0, %add3A_89, %dma_start3A_106] : memref<2x10000x64xf32, #tpu.memory_space<hbm>> -> memref<1x125x64xf32, #tpu.memory_space<hbm>>
      %dma_start3A_108 = tpu.memref_squeeze %dma_start3A_107 : memref<1x125x64xf32, #tpu.memory_space<hbm>> -> memref<125x64xf32, #tpu.memory_space<hbm>>
      %dma_start3A_109 = arith.constant 0 : i32
      %dma_start3A_110 = tpu.memref_slice %arg5[%arg0, %add3A_89, %dma_start3A_109] : memref<2x10000x64xf32, #tpu.memory_space<hbm>> -> memref<1x125x64xf32, #tpu.memory_space<hbm>>
      %dma_start3A_111 = tpu.memref_squeeze %dma_start3A_110 : memref<1x125x64xf32, #tpu.memory_space<hbm>> -> memref<125x64xf32, #tpu.memory_space<hbm>>
      %dma_start3A_112 = arith.constant 0 : i32
      %dma_start3A_113 = arith.constant 0 : i32
      %dma_start3A_114 = tpu.memref_slice %arg9[%dma_start3A_112, %dma_start3A_113] : memref<128x64xf32, #tpu.memory_space<vmem>> -> memref<125x64xf32, #tpu.memory_space<vmem>>
      tpu.enqueue_dma source(%dma_start3A_114 : memref<125x64xf32, #tpu.memory_space<vmem>>) target(%dma_start3A_111 : memref<125x64xf32, #tpu.memory_space<hbm>>) target_semaphore(%run_scoped3A_102 : memref<!tpu.dma_semaphore, #tpu.memory_space<semaphore_mem>>)
      %dma_wait3A_115 = arith.constant 0 : i32
      %dma_wait3A_116 = arith.constant 0 : i32
      %dma_wait3A_117 = tpu.memref_slice %arg9[%dma_wait3A_115, %dma_wait3A_116] : memref<128x64xf32, #tpu.memory_space<vmem>> -> memref<125x64xf32, #tpu.memory_space<vmem>>
      %dma_wait3A_118 = arith.constant 0 : i32
      %dma_wait3A_119 = tpu.memref_slice %arg5[%arg0, %add3A_89, %dma_wait3A_118] : memref<2x10000x64xf32, #tpu.memory_space<hbm>> -> memref<1x125x64xf32, #tpu.memory_space<hbm>>
      %dma_wait3A_120 = tpu.memref_squeeze %dma_wait3A_119 : memref<1x125x64xf32, #tpu.memory_space<hbm>> -> memref<125x64xf32, #tpu.memory_space<hbm>>
      %dma_wait3A_121 = arith.constant 0 : i32
      %dma_wait3A_122 = tpu.memref_slice %arg5[%arg0, %add3A_89, %dma_wait3A_121] : memref<2x10000x64xf32, #tpu.memory_space<hbm>> -> memref<1x125x64xf32, #tpu.memory_space<hbm>>
      %dma_wait3A_123 = tpu.memref_squeeze %dma_wait3A_122 : memref<1x125x64xf32, #tpu.memory_space<hbm>> -> memref<125x64xf32, #tpu.memory_space<hbm>>
      %dma_wait3A_124 = arith.constant 0 : i32
      %dma_wait3A_125 = arith.constant 0 : i32
      %dma_wait3A_126 = tpu.memref_slice %arg9[%dma_wait3A_124, %dma_wait3A_125] : memref<128x64xf32, #tpu.memory_space<vmem>> -> memref<125x64xf32, #tpu.memory_space<vmem>>
      tpu.wait_dma2 semaphore(%run_scoped3A_102 : memref<!tpu.dma_semaphore, #tpu.memory_space<semaphore_mem>>) src(%dma_wait3A_126 : memref<125x64xf32, #tpu.memory_space<vmem>>) dst(%dma_wait3A_123 : memref<125x64xf32, #tpu.memory_space<hbm>>)
      tpu.yield
    }) : () -> ()
    %add3A_90 = arith.constant 250 : i32
    %add3A_91 = arith.addi %mul3A_7, %add3A_90 : i32
    "tpu.region"() ({
      %run_scoped3A_102 = tpu.sem_alloc : memref<!tpu.dma_semaphore, #tpu.memory_space<semaphore_mem>>
      %dma_start3A_103 = arith.constant 0 : i32
      %dma_start3A_104 = arith.constant 0 : i32
      %dma_start3A_105 = tpu.memref_slice %arg10[%dma_start3A_103, %dma_start3A_104] : memref<128x64xf32, #tpu.memory_space<vmem>> -> memref<125x64xf32, #tpu.memory_space<vmem>>
      %dma_start3A_106 = arith.constant 0 : i32
      %dma_start3A_107 = tpu.memref_slice %arg17[%add3A_91, %dma_start3A_106] : memref<10016x64xf32, #tpu.memory_space<vmem_shared>> -> memref<125x64xf32, #tpu.memory_space<vmem_shared>>
      %dma_start3A_108 = arith.constant 0 : i32
      %dma_start3A_109 = arith.constant 0 : i32
      %dma_start3A_110 = tpu.memref_slice %arg10[%dma_start3A_108, %dma_start3A_109] : memref<128x64xf32, #tpu.memory_space<vmem>> -> memref<125x64xf32, #tpu.memory_space<vmem>>
      %dma_start3A_111 = arith.constant 0 : i32
      %dma_start3A_112 = tpu.memref_slice %arg17[%add3A_91, %dma_start3A_111] : memref<10016x64xf32, #tpu.memory_space<vmem_shared>> -> memref<125x64xf32, #tpu.memory_space<vmem_shared>>
      tpu.enqueue_dma source(%dma_start3A_112 : memref<125x64xf32, #tpu.memory_space<vmem_shared>>) target(%dma_start3A_110 : memref<125x64xf32, #tpu.memory_space<vmem>>) target_semaphore(%run_scoped3A_102 : memref<!tpu.dma_semaphore, #tpu.memory_space<semaphore_mem>>)
      %dma_wait3A_113 = arith.constant 0 : i32
      %dma_wait3A_114 = arith.constant 0 : i32
      %dma_wait3A_115 = tpu.memref_slice %arg10[%dma_wait3A_113, %dma_wait3A_114] : memref<128x64xf32, #tpu.memory_space<vmem>> -> memref<125x64xf32, #tpu.memory_space<vmem>>
      %dma_wait3A_116 = arith.constant 0 : i32
      %dma_wait3A_117 = tpu.memref_slice %arg17[%add3A_91, %dma_wait3A_116] : memref<10016x64xf32, #tpu.memory_space<vmem_shared>> -> memref<125x64xf32, #tpu.memory_space<vmem_shared>>
      %dma_wait3A_118 = arith.constant 0 : i32
      %dma_wait3A_119 = arith.constant 0 : i32
      %dma_wait3A_120 = tpu.memref_slice %arg10[%dma_wait3A_118, %dma_wait3A_119] : memref<128x64xf32, #tpu.memory_space<vmem>> -> memref<125x64xf32, #tpu.memory_space<vmem>>
      %dma_wait3A_121 = arith.constant 0 : i32
      %dma_wait3A_122 = tpu.memref_slice %arg17[%add3A_91, %dma_wait3A_121] : memref<10016x64xf32, #tpu.memory_space<vmem_shared>> -> memref<125x64xf32, #tpu.memory_space<vmem_shared>>
      tpu.wait_dma2 semaphore(%run_scoped3A_102 : memref<!tpu.dma_semaphore, #tpu.memory_space<semaphore_mem>>) src(%dma_wait3A_122 : memref<125x64xf32, #tpu.memory_space<vmem_shared>>) dst(%dma_wait3A_120 : memref<125x64xf32, #tpu.memory_space<vmem>>)
      tpu.yield
    }) : () -> ()
    %add3A_92 = arith.constant 250 : i32
    %add3A_93 = arith.addi %mul3A_7, %add3A_92 : i32
    "tpu.region"() ({
      %run_scoped3A_102 = tpu.sem_alloc : memref<!tpu.dma_semaphore, #tpu.memory_space<semaphore_mem>>
      %dma_start3A_103 = arith.constant 0 : i32
      %dma_start3A_104 = arith.constant 0 : i32
      %dma_start3A_105 = tpu.memref_slice %arg10[%dma_start3A_103, %dma_start3A_104] : memref<128x64xf32, #tpu.memory_space<vmem>> -> memref<125x64xf32, #tpu.memory_space<vmem>>
      %dma_start3A_106 = arith.constant 0 : i32
      %dma_start3A_107 = tpu.memref_slice %arg5[%arg0, %add3A_93, %dma_start3A_106] : memref<2x10000x64xf32, #tpu.memory_space<hbm>> -> memref<1x125x64xf32, #tpu.memory_space<hbm>>
      %dma_start3A_108 = tpu.memref_squeeze %dma_start3A_107 : memref<1x125x64xf32, #tpu.memory_space<hbm>> -> memref<125x64xf32, #tpu.memory_space<hbm>>
      %dma_start3A_109 = arith.constant 0 : i32
      %dma_start3A_110 = tpu.memref_slice %arg5[%arg0, %add3A_93, %dma_start3A_109] : memref<2x10000x64xf32, #tpu.memory_space<hbm>> -> memref<1x125x64xf32, #tpu.memory_space<hbm>>
      %dma_start3A_111 = tpu.memref_squeeze %dma_start3A_110 : memref<1x125x64xf32, #tpu.memory_space<hbm>> -> memref<125x64xf32, #tpu.memory_space<hbm>>
      %dma_start3A_112 = arith.constant 0 : i32
      %dma_start3A_113 = arith.constant 0 : i32
      %dma_start3A_114 = tpu.memref_slice %arg10[%dma_start3A_112, %dma_start3A_113] : memref<128x64xf32, #tpu.memory_space<vmem>> -> memref<125x64xf32, #tpu.memory_space<vmem>>
      tpu.enqueue_dma source(%dma_start3A_114 : memref<125x64xf32, #tpu.memory_space<vmem>>) target(%dma_start3A_111 : memref<125x64xf32, #tpu.memory_space<hbm>>) target_semaphore(%run_scoped3A_102 : memref<!tpu.dma_semaphore, #tpu.memory_space<semaphore_mem>>)
      %dma_wait3A_115 = arith.constant 0 : i32
      %dma_wait3A_116 = arith.constant 0 : i32
      %dma_wait3A_117 = tpu.memref_slice %arg10[%dma_wait3A_115, %dma_wait3A_116] : memref<128x64xf32, #tpu.memory_space<vmem>> -> memref<125x64xf32, #tpu.memory_space<vmem>>
      %dma_wait3A_118 = arith.constant 0 : i32
      %dma_wait3A_119 = tpu.memref_slice %arg5[%arg0, %add3A_93, %dma_wait3A_118] : memref<2x10000x64xf32, #tpu.memory_space<hbm>> -> memref<1x125x64xf32, #tpu.memory_space<hbm>>
      %dma_wait3A_120 = tpu.memref_squeeze %dma_wait3A_119 : memref<1x125x64xf32, #tpu.memory_space<hbm>> -> memref<125x64xf32, #tpu.memory_space<hbm>>
      %dma_wait3A_121 = arith.constant 0 : i32
      %dma_wait3A_122 = tpu.memref_slice %arg5[%arg0, %add3A_93, %dma_wait3A_121] : memref<2x10000x64xf32, #tpu.memory_space<hbm>> -> memref<1x125x64xf32, #tpu.memory_space<hbm>>
      %dma_wait3A_123 = tpu.memref_squeeze %dma_wait3A_122 : memref<1x125x64xf32, #tpu.memory_space<hbm>> -> memref<125x64xf32, #tpu.memory_space<hbm>>
      %dma_wait3A_124 = arith.constant 0 : i32
      %dma_wait3A_125 = arith.constant 0 : i32
      %dma_wait3A_126 = tpu.memref_slice %arg10[%dma_wait3A_124, %dma_wait3A_125] : memref<128x64xf32, #tpu.memory_space<vmem>> -> memref<125x64xf32, #tpu.memory_space<vmem>>
      tpu.wait_dma2 semaphore(%run_scoped3A_102 : memref<!tpu.dma_semaphore, #tpu.memory_space<semaphore_mem>>) src(%dma_wait3A_126 : memref<125x64xf32, #tpu.memory_space<vmem>>) dst(%dma_wait3A_123 : memref<125x64xf32, #tpu.memory_space<hbm>>)
      tpu.yield
    }) : () -> ()
    %add3A_94 = arith.constant 375 : i32
    %add3A_95 = arith.addi %mul3A_7, %add3A_94 : i32
    "tpu.region"() ({
      %run_scoped3A_102 = tpu.sem_alloc : memref<!tpu.dma_semaphore, #tpu.memory_space<semaphore_mem>>
      %dma_start3A_103 = arith.constant 0 : i32
      %dma_start3A_104 = arith.constant 0 : i32
      %dma_start3A_105 = tpu.memref_slice %arg8[%dma_start3A_103, %dma_start3A_104] : memref<128x64xf32, #tpu.memory_space<vmem>> -> memref<125x64xf32, #tpu.memory_space<vmem>>
      %dma_start3A_106 = arith.constant 0 : i32
      %dma_start3A_107 = tpu.memref_slice %arg17[%add3A_95, %dma_start3A_106] : memref<10016x64xf32, #tpu.memory_space<vmem_shared>> -> memref<125x64xf32, #tpu.memory_space<vmem_shared>>
      %dma_start3A_108 = arith.constant 0 : i32
      %dma_start3A_109 = arith.constant 0 : i32
      %dma_start3A_110 = tpu.memref_slice %arg8[%dma_start3A_108, %dma_start3A_109] : memref<128x64xf32, #tpu.memory_space<vmem>> -> memref<125x64xf32, #tpu.memory_space<vmem>>
      %dma_start3A_111 = arith.constant 0 : i32
      %dma_start3A_112 = tpu.memref_slice %arg17[%add3A_95, %dma_start3A_111] : memref<10016x64xf32, #tpu.memory_space<vmem_shared>> -> memref<125x64xf32, #tpu.memory_space<vmem_shared>>
      tpu.enqueue_dma source(%dma_start3A_112 : memref<125x64xf32, #tpu.memory_space<vmem_shared>>) target(%dma_start3A_110 : memref<125x64xf32, #tpu.memory_space<vmem>>) target_semaphore(%run_scoped3A_102 : memref<!tpu.dma_semaphore, #tpu.memory_space<semaphore_mem>>)
      %dma_wait3A_113 = arith.constant 0 : i32
      %dma_wait3A_114 = arith.constant 0 : i32
      %dma_wait3A_115 = tpu.memref_slice %arg8[%dma_wait3A_113, %dma_wait3A_114] : memref<128x64xf32, #tpu.memory_space<vmem>> -> memref<125x64xf32, #tpu.memory_space<vmem>>
      %dma_wait3A_116 = arith.constant 0 : i32
      %dma_wait3A_117 = tpu.memref_slice %arg17[%add3A_95, %dma_wait3A_116] : memref<10016x64xf32, #tpu.memory_space<vmem_shared>> -> memref<125x64xf32, #tpu.memory_space<vmem_shared>>
      %dma_wait3A_118 = arith.constant 0 : i32
      %dma_wait3A_119 = arith.constant 0 : i32
      %dma_wait3A_120 = tpu.memref_slice %arg8[%dma_wait3A_118, %dma_wait3A_119] : memref<128x64xf32, #tpu.memory_space<vmem>> -> memref<125x64xf32, #tpu.memory_space<vmem>>
      %dma_wait3A_121 = arith.constant 0 : i32
      %dma_wait3A_122 = tpu.memref_slice %arg17[%add3A_95, %dma_wait3A_121] : memref<10016x64xf32, #tpu.memory_space<vmem_shared>> -> memref<125x64xf32, #tpu.memory_space<vmem_shared>>
      tpu.wait_dma2 semaphore(%run_scoped3A_102 : memref<!tpu.dma_semaphore, #tpu.memory_space<semaphore_mem>>) src(%dma_wait3A_122 : memref<125x64xf32, #tpu.memory_space<vmem_shared>>) dst(%dma_wait3A_120 : memref<125x64xf32, #tpu.memory_space<vmem>>)
      tpu.yield
    }) : () -> ()
    %add3A_96 = arith.constant 375 : i32
    %add3A_97 = arith.addi %mul3A_7, %add3A_96 : i32
    "tpu.region"() ({
      %run_scoped3A_102 = tpu.sem_alloc : memref<!tpu.dma_semaphore, #tpu.memory_space<semaphore_mem>>
      %dma_start3A_103 = arith.constant 0 : i32
      %dma_start3A_104 = arith.constant 0 : i32
      %dma_start3A_105 = tpu.memref_slice %arg8[%dma_start3A_103, %dma_start3A_104] : memref<128x64xf32, #tpu.memory_space<vmem>> -> memref<125x64xf32, #tpu.memory_space<vmem>>
      %dma_start3A_106 = arith.constant 0 : i32
      %dma_start3A_107 = tpu.memref_slice %arg5[%arg0, %add3A_97, %dma_start3A_106] : memref<2x10000x64xf32, #tpu.memory_space<hbm>> -> memref<1x125x64xf32, #tpu.memory_space<hbm>>
      %dma_start3A_108 = tpu.memref_squeeze %dma_start3A_107 : memref<1x125x64xf32, #tpu.memory_space<hbm>> -> memref<125x64xf32, #tpu.memory_space<hbm>>
      %dma_start3A_109 = arith.constant 0 : i32
      %dma_start3A_110 = tpu.memref_slice %arg5[%arg0, %add3A_97, %dma_start3A_109] : memref<2x10000x64xf32, #tpu.memory_space<hbm>> -> memref<1x125x64xf32, #tpu.memory_space<hbm>>
      %dma_start3A_111 = tpu.memref_squeeze %dma_start3A_110 : memref<1x125x64xf32, #tpu.memory_space<hbm>> -> memref<125x64xf32, #tpu.memory_space<hbm>>
      %dma_start3A_112 = arith.constant 0 : i32
      %dma_start3A_113 = arith.constant 0 : i32
      %dma_start3A_114 = tpu.memref_slice %arg8[%dma_start3A_112, %dma_start3A_113] : memref<128x64xf32, #tpu.memory_space<vmem>> -> memref<125x64xf32, #tpu.memory_space<vmem>>
      tpu.enqueue_dma source(%dma_start3A_114 : memref<125x64xf32, #tpu.memory_space<vmem>>) target(%dma_start3A_111 : memref<125x64xf32, #tpu.memory_space<hbm>>) target_semaphore(%run_scoped3A_102 : memref<!tpu.dma_semaphore, #tpu.memory_space<semaphore_mem>>)
      %dma_wait3A_115 = arith.constant 0 : i32
      %dma_wait3A_116 = arith.constant 0 : i32
      %dma_wait3A_117 = tpu.memref_slice %arg8[%dma_wait3A_115, %dma_wait3A_116] : memref<128x64xf32, #tpu.memory_space<vmem>> -> memref<125x64xf32, #tpu.memory_space<vmem>>
      %dma_wait3A_118 = arith.constant 0 : i32
      %dma_wait3A_119 = tpu.memref_slice %arg5[%arg0, %add3A_97, %dma_wait3A_118] : memref<2x10000x64xf32, #tpu.memory_space<hbm>> -> memref<1x125x64xf32, #tpu.memory_space<hbm>>
      %dma_wait3A_120 = tpu.memref_squeeze %dma_wait3A_119 : memref<1x125x64xf32, #tpu.memory_space<hbm>> -> memref<125x64xf32, #tpu.memory_space<hbm>>
      %dma_wait3A_121 = arith.constant 0 : i32
      %dma_wait3A_122 = tpu.memref_slice %arg5[%arg0, %add3A_97, %dma_wait3A_121] : memref<2x10000x64xf32, #tpu.memory_space<hbm>> -> memref<1x125x64xf32, #tpu.memory_space<hbm>>
      %dma_wait3A_123 = tpu.memref_squeeze %dma_wait3A_122 : memref<1x125x64xf32, #tpu.memory_space<hbm>> -> memref<125x64xf32, #tpu.memory_space<hbm>>
      %dma_wait3A_124 = arith.constant 0 : i32
      %dma_wait3A_125 = arith.constant 0 : i32
      %dma_wait3A_126 = tpu.memref_slice %arg8[%dma_wait3A_124, %dma_wait3A_125] : memref<128x64xf32, #tpu.memory_space<vmem>> -> memref<125x64xf32, #tpu.memory_space<vmem>>
      tpu.wait_dma2 semaphore(%run_scoped3A_102 : memref<!tpu.dma_semaphore, #tpu.memory_space<semaphore_mem>>) src(%dma_wait3A_126 : memref<125x64xf32, #tpu.memory_space<vmem>>) dst(%dma_wait3A_123 : memref<125x64xf32, #tpu.memory_space<hbm>>)
      tpu.yield
    }) : () -> ()
    %add3A_98 = arith.constant 500 : i32
    %add3A_99 = arith.addi %mul3A_7, %add3A_98 : i32
    "tpu.region"() ({
      %run_scoped3A_102 = tpu.sem_alloc : memref<!tpu.dma_semaphore, #tpu.memory_space<semaphore_mem>>
      %dma_start3A_103 = arith.constant 0 : i32
      %dma_start3A_104 = arith.constant 0 : i32
      %dma_start3A_105 = tpu.memref_slice %arg9[%dma_start3A_103, %dma_start3A_104] : memref<128x64xf32, #tpu.memory_space<vmem>> -> memref<125x64xf32, #tpu.memory_space<vmem>>
      %dma_start3A_106 = arith.constant 0 : i32
      %dma_start3A_107 = tpu.memref_slice %arg17[%add3A_99, %dma_start3A_106] : memref<10016x64xf32, #tpu.memory_space<vmem_shared>> -> memref<125x64xf32, #tpu.memory_space<vmem_shared>>
      %dma_start3A_108 = arith.constant 0 : i32
      %dma_start3A_109 = arith.constant 0 : i32
      %dma_start3A_110 = tpu.memref_slice %arg9[%dma_start3A_108, %dma_start3A_109] : memref<128x64xf32, #tpu.memory_space<vmem>> -> memref<125x64xf32, #tpu.memory_space<vmem>>
      %dma_start3A_111 = arith.constant 0 : i32
      %dma_start3A_112 = tpu.memref_slice %arg17[%add3A_99, %dma_start3A_111] : memref<10016x64xf32, #tpu.memory_space<vmem_shared>> -> memref<125x64xf32, #tpu.memory_space<vmem_shared>>
      tpu.enqueue_dma source(%dma_start3A_112 : memref<125x64xf32, #tpu.memory_space<vmem_shared>>) target(%dma_start3A_110 : memref<125x64xf32, #tpu.memory_space<vmem>>) target_semaphore(%run_scoped3A_102 : memref<!tpu.dma_semaphore, #tpu.memory_space<semaphore_mem>>)
      %dma_wait3A_113 = arith.constant 0 : i32
      %dma_wait3A_114 = arith.constant 0 : i32
      %dma_wait3A_115 = tpu.memref_slice %arg9[%dma_wait3A_113, %dma_wait3A_114] : memref<128x64xf32, #tpu.memory_space<vmem>> -> memref<125x64xf32, #tpu.memory_space<vmem>>
      %dma_wait3A_116 = arith.constant 0 : i32
      %dma_wait3A_117 = tpu.memref_slice %arg17[%add3A_99, %dma_wait3A_116] : memref<10016x64xf32, #tpu.memory_space<vmem_shared>> -> memref<125x64xf32, #tpu.memory_space<vmem_shared>>
      %dma_wait3A_118 = arith.constant 0 : i32
      %dma_wait3A_119 = arith.constant 0 : i32
      %dma_wait3A_120 = tpu.memref_slice %arg9[%dma_wait3A_118, %dma_wait3A_119] : memref<128x64xf32, #tpu.memory_space<vmem>> -> memref<125x64xf32, #tpu.memory_space<vmem>>
      %dma_wait3A_121 = arith.constant 0 : i32
      %dma_wait3A_122 = tpu.memref_slice %arg17[%add3A_99, %dma_wait3A_121] : memref<10016x64xf32, #tpu.memory_space<vmem_shared>> -> memref<125x64xf32, #tpu.memory_space<vmem_shared>>
      tpu.wait_dma2 semaphore(%run_scoped3A_102 : memref<!tpu.dma_semaphore, #tpu.memory_space<semaphore_mem>>) src(%dma_wait3A_122 : memref<125x64xf32, #tpu.memory_space<vmem_shared>>) dst(%dma_wait3A_120 : memref<125x64xf32, #tpu.memory_space<vmem>>)
      tpu.yield
    }) : () -> ()
    %add3A_100 = arith.constant 500 : i32
    %add3A_101 = arith.addi %mul3A_7, %add3A_100 : i32
    "tpu.region"() ({
      %run_scoped3A_102 = tpu.sem_alloc : memref<!tpu.dma_semaphore, #tpu.memory_space<semaphore_mem>>
      %dma_start3A_103 = arith.constant 0 : i32
      %dma_start3A_104 = arith.constant 0 : i32
      %dma_start3A_105 = tpu.memref_slice %arg9[%dma_start3A_103, %dma_start3A_104] : memref<128x64xf32, #tpu.memory_space<vmem>> -> memref<125x64xf32, #tpu.memory_space<vmem>>
      %dma_start3A_106 = arith.constant 0 : i32
      %dma_start3A_107 = tpu.memref_slice %arg5[%arg0, %add3A_101, %dma_start3A_106] : memref<2x10000x64xf32, #tpu.memory_space<hbm>> -> memref<1x125x64xf32, #tpu.memory_space<hbm>>
      %dma_start3A_108 = tpu.memref_squeeze %dma_start3A_107 : memref<1x125x64xf32, #tpu.memory_space<hbm>> -> memref<125x64xf32, #tpu.memory_space<hbm>>
      %dma_start3A_109 = arith.constant 0 : i32
      %dma_start3A_110 = tpu.memref_slice %arg5[%arg0, %add3A_101, %dma_start3A_109] : memref<2x10000x64xf32, #tpu.memory_space<hbm>> -> memref<1x125x64xf32, #tpu.memory_space<hbm>>
      %dma_start3A_111 = tpu.memref_squeeze %dma_start3A_110 : memref<1x125x64xf32, #tpu.memory_space<hbm>> -> memref<125x64xf32, #tpu.memory_space<hbm>>
      %dma_start3A_112 = arith.constant 0 : i32
      %dma_start3A_113 = arith.constant 0 : i32
      %dma_start3A_114 = tpu.memref_slice %arg9[%dma_start3A_112, %dma_start3A_113] : memref<128x64xf32, #tpu.memory_space<vmem>> -> memref<125x64xf32, #tpu.memory_space<vmem>>
      tpu.enqueue_dma source(%dma_start3A_114 : memref<125x64xf32, #tpu.memory_space<vmem>>) target(%dma_start3A_111 : memref<125x64xf32, #tpu.memory_space<hbm>>) target_semaphore(%run_scoped3A_102 : memref<!tpu.dma_semaphore, #tpu.memory_space<semaphore_mem>>)
      %dma_wait3A_115 = arith.constant 0 : i32
      %dma_wait3A_116 = arith.constant 0 : i32
      %dma_wait3A_117 = tpu.memref_slice %arg9[%dma_wait3A_115, %dma_wait3A_116] : memref<128x64xf32, #tpu.memory_space<vmem>> -> memref<125x64xf32, #tpu.memory_space<vmem>>
      %dma_wait3A_118 = arith.constant 0 : i32
      %dma_wait3A_119 = tpu.memref_slice %arg5[%arg0, %add3A_101, %dma_wait3A_118] : memref<2x10000x64xf32, #tpu.memory_space<hbm>> -> memref<1x125x64xf32, #tpu.memory_space<hbm>>
      %dma_wait3A_120 = tpu.memref_squeeze %dma_wait3A_119 : memref<1x125x64xf32, #tpu.memory_space<hbm>> -> memref<125x64xf32, #tpu.memory_space<hbm>>
      %dma_wait3A_121 = arith.constant 0 : i32
      %dma_wait3A_122 = tpu.memref_slice %arg5[%arg0, %add3A_101, %dma_wait3A_121] : memref<2x10000x64xf32, #tpu.memory_space<hbm>> -> memref<1x125x64xf32, #tpu.memory_space<hbm>>
      %dma_wait3A_123 = tpu.memref_squeeze %dma_wait3A_122 : memref<1x125x64xf32, #tpu.memory_space<hbm>> -> memref<125x64xf32, #tpu.memory_space<hbm>>
      %dma_wait3A_124 = arith.constant 0 : i32
      %dma_wait3A_125 = arith.constant 0 : i32
      %dma_wait3A_126 = tpu.memref_slice %arg9[%dma_wait3A_124, %dma_wait3A_125] : memref<128x64xf32, #tpu.memory_space<vmem>> -> memref<125x64xf32, #tpu.memory_space<vmem>>
      tpu.wait_dma2 semaphore(%run_scoped3A_102 : memref<!tpu.dma_semaphore, #tpu.memory_space<semaphore_mem>>) src(%dma_wait3A_126 : memref<125x64xf32, #tpu.memory_space<vmem>>) dst(%dma_wait3A_123 : memref<125x64xf32, #tpu.memory_space<hbm>>)
      tpu.yield
    }) : () -> ()
    return
  }
}

module attributes {stable_mosaic.version = 14 : i64} {
  func.func @_pre_body(%arg0: i32, %arg1: memref<2000x128xf32, #tpu.memory_space<vmem>>, %arg2: memref<128x64xf32, #tpu.memory_space<vmem>>, %arg3: memref<2000x2xf32, #tpu.memory_space<vmem>>, %arg4: memref<2000x64xf32, #tpu.memory_space<vmem>>) attributes {dimension_semantics = [#tpu.dimension_semantics<arbitrary>], iteration_bounds = array<i64: 5>, scalar_prefetch = 0 : i64, scratch_operands = 0 : i64, tpu.core_type = #tpu.core_type<tc>, window_params = [{transform_indices = @transform_0, window_bounds = array<i64: 2000, 128>}, {pipeline_mode = #tpu.pipeline_mode<synchronous>, transform_indices = @transform_1, window_bounds = array<i64: 128, 64>}, {transform_indices = @transform_2, window_bounds = array<i64: 2000, 2>}, {transform_indices = @transform_3, window_bounds = array<i64: 2000, 64>}]} {
    %get3A = arith.constant 0 : index
    %get3A_0 = arith.constant 0 : index
    %get3A_1 = vector.load %arg3[%get3A, %get3A_0] : memref<2000x2xf32, #tpu.memory_space<vmem>>, vector<2000x2xf32>
    %slice3A = vector.extract_strided_slice %get3A_1 {offsets = [0, 0], sizes = [2000, 1], strides = [1, 1]} : vector<2000x2xf32> to vector<2000x1xf32>
    %squeeze3A = vector.shape_cast %slice3A : vector<2000x1xf32> to vector<2000xf32>
    %slice3A_2 = vector.extract_strided_slice %get3A_1 {offsets = [0, 1], sizes = [2000, 1], strides = [1, 1]} : vector<2000x2xf32> to vector<2000x1xf32>
    %squeeze3A_3 = vector.shape_cast %slice3A_2 : vector<2000x1xf32> to vector<2000xf32>
    %add3A = arith.addf %squeeze3A, %squeeze3A_3 : vector<2000xf32>
    %add3A_4 = arith.constant 1.000000e+00 : f32
    %add3A_5 = vector.broadcast %add3A_4 : f32 to vector<2000xf32>
    %add3A_6 = arith.addf %add3A, %add3A_5 : vector<2000xf32>
    %rsqrt3A = math.rsqrt %add3A_6 : vector<2000xf32>
    %get3A_7 = arith.constant 0 : index
    %get3A_8 = arith.constant 0 : index
    %get3A_9 = vector.load %arg1[%get3A_7, %get3A_8] : memref<2000x128xf32, #tpu.memory_space<vmem>>, vector<2000x128xf32>
    %get3A_10 = arith.constant 0 : index
    %get3A_11 = arith.constant 0 : index
    %get3A_12 = vector.load %arg2[%get3A_10, %get3A_11] : memref<128x64xf32, #tpu.memory_space<vmem>>, vector<128x64xf32>
    %dot_general3A = arith.constant dense<0.000000e+00> : vector<2000x64xf32>
    %dot_general3A_13 = tpu.matmul %get3A_9, %get3A_12, %dot_general3A {dimension_numbers = #tpu.dot_dimension_numbers<[1], [0], [0], [1], [0, 0, 1, 1], [], []>, transpose_lhs_hint = false} : vector<2000x128xf32>, vector<128x64xf32>, vector<2000x64xf32> -> vector<2000x64xf32>
    %broadcast_in_dim3A = vector.shape_cast %rsqrt3A : vector<2000xf32> to vector<2000x1xf32>
    %mul3A = vector.broadcast %broadcast_in_dim3A : vector<2000x1xf32> to vector<2000x64xf32>
    %mul3A_14 = arith.mulf %dot_general3A_13, %mul3A : vector<2000x64xf32>
    %swap3A = arith.constant 0 : index
    %swap3A_15 = arith.constant 0 : index
    %swap3A_16 = vector.load %arg4[%swap3A, %swap3A_15] : memref<2000x64xf32, #tpu.memory_space<vmem>>, vector<2000x64xf32>
    tpu.vector_store %arg4[%swap3A, %swap3A_15], %mul3A_14 {strides = array<i32>} : memref<2000x64xf32, #tpu.memory_space<vmem>>, vector<2000x64xf32>,
    return
  }
  func.func @transform_0(%arg0: i32) -> (i32, i32) {
    %c0_i32 = arith.constant 0 : i32
    %c0_i32_0 = arith.constant 0 : i32
    return %arg0, %c0_i32 : i32, i32
  }
  func.func @transform_1(%arg0: i32) -> (i32, i32) {
    %c0_i32 = arith.constant 0 : i32
    %c0_i32_0 = arith.constant 0 : i32
    %c0_i32_1 = arith.constant 0 : i32
    return %c0_i32, %c0_i32_0 : i32, i32
  }
  func.func @transform_2(%arg0: i32) -> (i32, i32) {
    %c0_i32 = arith.constant 0 : i32
    %c0_i32_0 = arith.constant 0 : i32
    return %arg0, %c0_i32 : i32, i32
  }
  func.func @transform_3(%arg0: i32) -> (i32, i32) {
    %c0_i32 = arith.constant 0 : i32
    %c0_i32_0 = arith.constant 0 : i32
    return %arg0, %c0_i32 : i32, i32
  }
}

module attributes {stable_mosaic.version = 14 : i64} {
  func.func @_post_body(%arg0: i32, %arg1: memref<2x2000x64xf32, #tpu.memory_space<vmem>>, %arg2: memref<2000x64xf32, #tpu.memory_space<vmem>>, %arg3: memref<2000x2xf32, #tpu.memory_space<vmem>>, %arg4: memref<1x32xf32, #tpu.memory_space<vmem>>, %arg5: memref<1x32xf32, #tpu.memory_space<vmem>>, %arg6: memref<2000x32xf32, #tpu.memory_space<vmem>>, %arg7: memref<2000x32xf32, #tpu.memory_space<vmem>>) attributes {dimension_semantics = [#tpu.dimension_semantics<arbitrary>], iteration_bounds = array<i64: 5>, scalar_prefetch = 0 : i64, scratch_operands = 0 : i64, tpu.core_type = #tpu.core_type<tc>, window_params = [{transform_indices = @transform_0, window_bounds = array<i64: 2, 2000, 64>}, {transform_indices = @transform_1, window_bounds = array<i64: 2000, 64>}, {transform_indices = @transform_2, window_bounds = array<i64: 2000, 2>}, {pipeline_mode = #tpu.pipeline_mode<synchronous>, transform_indices = @transform_3, window_bounds = array<i64: 1, 32>}, {pipeline_mode = #tpu.pipeline_mode<synchronous>, transform_indices = @transform_4, window_bounds = array<i64: 1, 32>}, {transform_indices = @transform_5, window_bounds = array<i64: 2000, 32>}, {transform_indices = @transform_6, window_bounds = array<i64: 2000, 32>}]} {
    %get3A = arith.constant 0 : index
    %get3A_0 = arith.constant 0 : index
    %get3A_1 = vector.load %arg3[%get3A, %get3A_0] : memref<2000x2xf32, #tpu.memory_space<vmem>>, vector<2000x2xf32>
    %slice3A = vector.extract_strided_slice %get3A_1 {offsets = [0, 0], sizes = [2000, 1], strides = [1, 1]} : vector<2000x2xf32> to vector<2000x1xf32>
    %squeeze3A = vector.shape_cast %slice3A : vector<2000x1xf32> to vector<2000xf32>
    %slice3A_2 = vector.extract_strided_slice %get3A_1 {offsets = [0, 1], sizes = [2000, 1], strides = [1, 1]} : vector<2000x2xf32> to vector<2000x1xf32>
    %squeeze3A_3 = vector.shape_cast %slice3A_2 : vector<2000x1xf32> to vector<2000xf32>
    %add3A = arith.addf %squeeze3A, %squeeze3A_3 : vector<2000xf32>
    %add3A_4 = arith.constant 1.000000e+00 : f32
    %add3A_5 = vector.broadcast %add3A_4 : f32 to vector<2000xf32>
    %add3A_6 = arith.addf %add3A, %add3A_5 : vector<2000xf32>
    %rsqrt3A = math.rsqrt %add3A_6 : vector<2000xf32>
    %get3A_7 = arith.constant 0 : index
    %get3A_8 = arith.constant 0 : index
    %get3A_9 = arith.constant 0 : index
    %get3A_10 = vector.load %arg1[%get3A_7, %get3A_8, %get3A_9] : memref<2x2000x64xf32, #tpu.memory_space<vmem>>, vector<1x2000x64xf32>
    %get3A_11 = vector.shape_cast %get3A_10 : vector<1x2000x64xf32> to vector<2000x64xf32>
    %get3A_12 = arith.constant 1 : index
    %get3A_13 = arith.constant 0 : index
    %get3A_14 = arith.constant 0 : index
    %get3A_15 = vector.load %arg1[%get3A_12, %get3A_13, %get3A_14] : memref<2x2000x64xf32, #tpu.memory_space<vmem>>, vector<1x2000x64xf32>
    %get3A_16 = vector.shape_cast %get3A_15 : vector<1x2000x64xf32> to vector<2000x64xf32>
    %add3A_17 = arith.addf %get3A_11, %get3A_16 : vector<2000x64xf32>
    %get3A_18 = arith.constant 0 : index
    %get3A_19 = arith.constant 0 : index
    %get3A_20 = vector.load %arg2[%get3A_18, %get3A_19] : memref<2000x64xf32, #tpu.memory_space<vmem>>, vector<2000x64xf32>
    %add3A_21 = arith.addf %add3A_17, %get3A_20 : vector<2000x64xf32>
    %broadcast_in_dim3A = vector.shape_cast %rsqrt3A : vector<2000xf32> to vector<2000x1xf32>
    %mul3A = vector.broadcast %broadcast_in_dim3A : vector<2000x1xf32> to vector<2000x64xf32>
    %mul3A_22 = arith.mulf %add3A_21, %mul3A : vector<2000x64xf32>
    %slice3A_23 = vector.extract_strided_slice %mul3A_22 {offsets = [0, 0], sizes = [2000, 32], strides = [1, 1]} : vector<2000x64xf32> to vector<2000x32xf32>
    %get3A_24 = arith.constant 0 : index
    %get3A_25 = arith.constant 0 : index
    %get3A_26 = vector.load %arg4[%get3A_24, %get3A_25] : memref<1x32xf32, #tpu.memory_space<vmem>>, vector<1x32xf32>
    %add3A_27 = vector.broadcast %get3A_26 : vector<1x32xf32> to vector<2000x32xf32>
    %add3A_28 = arith.addf %slice3A_23, %add3A_27 : vector<2000x32xf32>
    %swap3A = arith.constant 0 : index
    %swap3A_29 = arith.constant 0 : index
    %swap3A_30 = vector.load %arg6[%swap3A, %swap3A_29] : memref<2000x32xf32, #tpu.memory_space<vmem>>, vector<2000x32xf32>
    tpu.vector_store %arg6[%swap3A, %swap3A_29], %add3A_28 {strides = array<i32>} : memref<2000x32xf32, #tpu.memory_space<vmem>>, vector<2000x32xf32>,
    %slice3A_31 = vector.extract_strided_slice %mul3A_22 {offsets = [0, 32], sizes = [2000, 32], strides = [1, 1]} : vector<2000x64xf32> to vector<2000x32xf32>
    %get3A_32 = arith.constant 0 : index
    %get3A_33 = arith.constant 0 : index
    %get3A_34 = vector.load %arg5[%get3A_32, %get3A_33] : memref<1x32xf32, #tpu.memory_space<vmem>>, vector<1x32xf32>
    %add3A_35 = vector.broadcast %get3A_34 : vector<1x32xf32> to vector<2000x32xf32>
    %add3A_36 = arith.addf %slice3A_31, %add3A_35 : vector<2000x32xf32>
    %swap3A_37 = arith.constant 0 : index
    %swap3A_38 = arith.constant 0 : index
    %swap3A_39 = vector.load %arg7[%swap3A_37, %swap3A_38] : memref<2000x32xf32, #tpu.memory_space<vmem>>, vector<2000x32xf32>
    tpu.vector_store %arg7[%swap3A_37, %swap3A_38], %add3A_36 {strides = array<i32>} : memref<2000x32xf32, #tpu.memory_space<vmem>>, vector<2000x32xf32>,
    return
  }
  func.func @transform_0(%arg0: i32) -> (i32, i32, i32) {
    %c0_i32 = arith.constant 0 : i32
    %c0_i32_0 = arith.constant 0 : i32
    %c0_i32_1 = arith.constant 0 : i32
    return %c0_i32, %arg0, %c0_i32_0 : i32, i32, i32
  }
  func.func @transform_1(%arg0: i32) -> (i32, i32) {
    %c0_i32 = arith.constant 0 : i32
    %c0_i32_0 = arith.constant 0 : i32
    return %arg0, %c0_i32 : i32, i32
  }
  func.func @transform_2(%arg0: i32) -> (i32, i32) {
    %c0_i32 = arith.constant 0 : i32
    %c0_i32_0 = arith.constant 0 : i32
    return %arg0, %c0_i32 : i32, i32
  }
  func.func @transform_3(%arg0: i32) -> (i32, i32) {
    %c0_i32 = arith.constant 0 : i32
    %c0_i32_0 = arith.constant 0 : i32
    %c0_i32_1 = arith.constant 0 : i32
    return %c0_i32, %c0_i32_0 : i32, i32
  }
  func.func @transform_4(%arg0: i32) -> (i32, i32) {
    %c0_i32 = arith.constant 0 : i32
    %c0_i32_0 = arith.constant 0 : i32
    %c0_i32_1 = arith.constant 0 : i32
    return %c0_i32, %c0_i32_0 : i32, i32
  }
  func.func @transform_5(%arg0: i32) -> (i32, i32) {
    %c0_i32 = arith.constant 0 : i32
    %c0_i32_0 = arith.constant 0 : i32
    return %arg0, %c0_i32 : i32, i32
  }
  func.func @transform_6(%arg0: i32) -> (i32, i32) {
    %c0_i32 = arith.constant 0 : i32
    %c0_i32_0 = arith.constant 0 : i32
    return %arg0, %c0_i32 : i32, i32
  }
}

</mosaic_0001>

<sc_bundles>
// kernel: kernel.6.cloned.1.call-start
scs
__scs_entry_jumppad:
0x0: {  	(pc) =	sbr.rel $0x88, $3  }
0x1: {  	(tag) =	ssettag $0x0;
	lr =	simm.s32 $0x1  }
0x2: {  	[smem:$0x3F9B] =	sst lr;
	_ =	strace $0xD0000000  }
0x3: {  	_ = 	snop  }
0x4: {  	_ = 	snop  }
0x5: {  	_ = 	snop  }
0x6: {  	_ = 	snop  }
0x7: {  	_ = 	snop  }
__scs_overlays_trampoline_lowered:
0x8: {  	[smem:$0x3FAA] =	sst s0  }
0x9: {  	[smem:$0x3FAB] =	sst s1  }
0xa: {  	[smem:$0x3FAC] =	sst s2  }
0xb: {  	[smem:$0x3FAD] =	sst s3  }
0xc: {  	[smem:$0x3FAE] =	sst s4  }
0xd: {  	[smem:$0x3FAF] =	sst s5  }
0xe: {  	[smem:$0x3FB0] =	sst s6  }
0xf: {  	[smem:$0x3FB1] =	sst s7  }
0x10: {  	[smem:$0x3FB2] =	sst s8  }
0x11: {  	[smem:$0x3FB3] =	sst s9;
	s0 =	simm.s32 @!p0 $0x0  }
0x12: {  	s1 =	sld [smem:$0x3F99];
	s0 =	simm.s32 @p0 $0x1  }
0x13: {  	[smem:$0x3FB4] =	sst s0;
	s0 =	simm.s32 @!p1 $0x0  }
0x14: {  	s2 =	sld [smem:$0x3F98];
	s0 =	simm.s32 @p1 $0x1  }
0x15: {  	[smem:$0x3FB5] =	sst s0;
	s0 =	simm.s32 @!p2 $0x0  }
0x16: {  	s3 =	sld [smem:$0x3FDB];
	s0 =	simm.s32 @p2 $0x1  }
0x17: {  	s4 =	simm.s32 $0x1BF5;
	[smem:$0x3FB7] =	sst s0  }
0x18: {  	s0 =	sld [smem:$0x3F9A];
	_ =	swait.ge [sflag:s4], $0x0  }
0x19: {  	s7 =	sld [smem:$0x3F9B]  }
0x1a: {  	s8 =	sadd.s32 $0xFFFFE003, lr  }
0x1b: {  	s9 =	sadd.s32 $0xFFFFFEF7, lr;
	s5 =	simm.s32 $0xFFFFFFFF;
	p2 =	slt.u32 s8, $0xFFFFF086  }
0x1c: {  	p1 =	slt.u32 s9, $0xF7A;
	s5 =	simm.s32 @!p2 $0x0  }
0x1d: {  	s5 =	simm.s32 @p1 $0x1;
	p0 =	seq.s32 s7, s2  }
0x1e: {  	s7 =	smul.u32 @!p0 $0xF7A, s2;
	p2 =	seq.s32 @!p0 s5, $0x0  }
0x1f: {  	s9 =	smul.u32 $0xF7A, s1;
	s8 =	simm.s32 @!p0 $0x1BF5;
	p2 =	por !p2, p0  }
0x20: {  	[sflag:s8] =	ssyncset.s32 @!p0 $0xFFFFF086;
	s6 =	sadd.s32 @!p0 s3, s7;
	s7 =	simm.s32 @!p0 $0x108  }
0x21: {  	s3 =	sadd.s32 s3, s9;
	s6 =	sadd.s32 @!p0 $0x88, s6;
	s7 =	simm.s32 @p2 $0x1082  }
0x22: {  	[simem:s7], [sflag:s8] =	dma.local @!p0 [hbm:s6], $0xF7A  }
0x23: {  	s9 =	sor.u32 $0xD0000000, s2;
	s6 =	simm.s32 $0x108;
	_ =	swait.ge @!p0 [sflag:s8], $0x0  }
0x24: {  	s3 =	sadd.s32 $0x88, s3;
	s6 =	simm.s32 @!p1 $0x1082;
	[sflag:s4] =	ssyncset.s32 $0xFFFFF086  }
0x25: {  	[simem:s6], [sflag:s4] =	dma.local [hbm:s3], $0xF7A  }
0x26: {  	[smem:$0x3F9B] =	sst s1;
	(tag) =	ssettag s2;
	_ =	strace s9  }
0x27: {  	s1 =	sld [smem:$0x3FAB]  }
0x28: {  	s2 =	sld [smem:$0x3FAC]  }
0x29: {  	s4 =	sld [smem:$0x3FAE]  }
0x2a: {  	p0 =	seq.s32 s5, $0x0;
	s5 =	sld [smem:$0x3FAF]  }
0x2b: {  	s6 =	sld [smem:$0x3FB0]  }
0x2c: {  	s7 =	sld [smem:$0x3FB1]  }
0x2d: {  	s3 =	simm.s32 $0x108;
	s8 =	sld [smem:$0x3FB2]  }
0x2e: {  	s3 =	simm.s32 @!p0 $0x1082;
	s9 =	sld [smem:$0x3FB3]  }
0x2f: {  	lr =	sadd.s32 s0, s3;
	s0 =	sld [smem:$0x3FAA]  }
0x30: {  	s3 =	sld [smem:$0x3FAD]  }
0x31: {  	[smem:$0x3FB6] =	sst s10  }
0x32: {  	s10 =	sld [smem:$0x3FB4];
	_ =	sdelay $0x3  }
0x33: {  	p0 =	seq.s32 s10, $0x1;
	s10 =	sld [smem:$0x3FB6];
	_ =	sdelay $0x3  }
0x34: {  	[smem:$0x3FB6] =	sst s10  }
0x35: {  	s10 =	sld [smem:$0x3FB5];
	_ =	sdelay $0x3  }
0x36: {  	p1 =	seq.s32 s10, $0x1;
	s10 =	sld [smem:$0x3FB6];
	_ =	sdelay $0x3  }
0x37: {  	[smem:$0x3FB6] =	sst s10  }
0x38: {  	s10 =	sld [smem:$0x3FB7]  }
0x39: {  	_ = 	snop;
	(pc) =	sbr.ind lr, $3  }
0x3a: {  	_ = 	snop  }
0x3b: {  	_ = 	snop  }
0x3c: {  	p2 =	seq.s32 s10, $0x1;
	s10 =	sld [smem:$0x3FB6]  }
0x3d: {  	_ =	shalt  }
0x3e: {  	_ =	shalt  }
0x3f: {  	_ =	shalt  }
0x40: {  	_ =	shalt  }
0x41: {  	_ =	shalt  }
0x42: {  	_ =	shalt  }
0x43: {  	_ =	shalt  }
0x44: {  	_ =	shalt  }
0x45: {  	_ =	shalt  }
0x46: {  	_ =	shalt  }
0x47: {  	_ =	shalt  }
0x48: {  	_ =	shalt  }
0x49: {  	_ =	shalt  }
0x4a: {  	_ =	shalt  }
0x4b: {  	_ =	shalt  }
0x4c: {  	_ =	shalt  }
0x4d: {  	_ =	shalt  }
0x4e: {  	_ =	shalt  }
0x4f: {  	_ =	shalt  }
0x50: {  	_ =	shalt  }
0x51: {  	_ =	shalt  }
0x52: {  	_ =	shalt  }
0x53: {  	_ =	shalt  }
0x54: {  	_ =	shalt  }
0x55: {  	_ =	shalt  }
0x56: {  	_ =	shalt  }
0x57: {  	_ =	shalt  }
0x58: {  	_ =	shalt  }
0x59: {  	_ =	shalt  }
0x5a: {  	_ =	shalt  }
0x5b: {  	_ =	shalt  }
0x5c: {  	_ =	shalt  }
0x5d: {  	_ =	shalt  }
0x5e: {  	_ =	shalt  }
0x5f: {  	_ =	shalt  }
0x60: {  	_ =	shalt  }
0x61: {  	_ =	shalt  }
0x62: {  	_ =	shalt  }
0x63: {  	_ =	shalt  }
0x64: {  	_ =	shalt  }
0x65: {  	_ =	shalt  }
0x66: {  	_ =	shalt  }
0x67: {  	_ =	shalt  }
0x68: {  	_ =	shalt  }
0x69: {  	_ =	shalt  }
0x6a: {  	_ =	shalt  }
0x6b: {  	_ =	shalt  }
0x6c: {  	_ =	shalt  }
0x6d: {  	_ =	shalt  }
0x6e: {  	_ =	shalt  }
0x6f: {  	_ =	shalt  }
0x70: {  	_ =	shalt  }
0x71: {  	_ =	shalt  }
0x72: {  	_ =	shalt  }
0x73: {  	_ =	shalt  }
0x74: {  	_ =	shalt  }
0x75: {  	_ =	shalt  }
0x76: {  	_ =	shalt  }
0x77: {  	_ =	shalt  }
0x78: {  	_ =	shalt  }
0x79: {  	_ =	shalt  }
0x7a: {  	_ =	shalt  }
0x7b: {  	_ =	shalt  }
0x7c: {  	_ =	shalt  }
0x7d: {  	_ =	shalt  }
0x7e: {  	_ =	shalt  }
0x7f: {  	_ =	shalt  }
0x80: {  	_ =	shalt  }
0x81: {  	_ =	shalt  }
0x82: {  	_ =	shalt  }
0x83: {  	_ =	shalt  }
0x84: {  	_ =	shalt  }
0x85: {  	_ =	shalt  }
0x86: {  	_ =	shalt  }
0x87: {  	_ =	shalt  }
.Lfunc_end0:
.L_simem_size_0:
called_computation_lowered:
.L_overlay_start_0:
0x88: {  	s2 =	sld [smem:$0x3FD9]  }
0x89: {  	s3 =	sld [smem:$0x3FFE];
	_ =	sdelay $0x1  }
0x8a: {  	s1 =	srdreg.scid  }
0x8b: {  	s0 =	sand.u32 $0x1, s1  }
0x8c: {  	s14 =	sshll.u32 s0, $0xA;
	s2 =	sadd.s32 s3, s2  }
0x8d: {  	s2 =	sadd.s32 s2, s14  }
0x8e: {  	[smem:$0x3FC2] =	sst s2  }
0x8f: {  	_ = 	snop  }
0x90: {  	s2 =	sld [smem:$0x3FD0];
	_ =	sdelay $0x2  }
0x91: {  	s15 =	simm.s32 $0xA;
	s4 =	simm.s32 $0x10  }
0x92: {  	[smem:s4], [sflag:s15] =	dma.local [hbm:s2], $0x1  }
0x93: {  	_ =	swait.eq [sflag:s15], $0x1  }
0x94: {  	[sflag:s15] =	ssyncset.done $0x0  }
0x95: {  	s16 =	sld [smem:$0x10];
	[sflag:s15] =	ssyncadd.s32 $0xFFFFFFFF  }
0x96: {  	s17 =	sld [smem:$0x11];
	(tm) =	ssettm $0x1  }
0x97: {  	s18 =	sld [smem:$0x3FFB];
	_ =	sdelay $0x3  }
0x98: {  	_ =	strace s18  }
0x99: {  	s4 =	sld [smem:$0x3FFC];
	_ =	sdelay $0x3  }
0x9a: {  	_ =	strace s4  }
0x9b: {  	s4 =	sld [smem:$0x3FFD];
	_ =	sdelay $0x3  }
0x9c: {  	_ =	strace s4  }
0x9d: {  	_ =	strace $0x8FFFFFFF  }
0x9e: {  	s19 =	sld [smem:$0x3FDB];
	_ =	sdelay $0x1  }
0x9f: {  	s5 =	simm.s32 $_scs_section_size  }
0xa0: {  	s6 =	simm.s32 $_size__tile_overlayer_lowered;
	s7 =	simm.s32 $_tile_overlayer_lowered  }
0xa1: {  	s22 =	simm.s32 $0x1BFF;
	s21 =	sshll.u32 s7, $0x1;
	s4 =	sadd.s32 s5, s19  }
0xa2: {  	s8 =	simm.s32 $0x0;
	s20 =	sshll.u32 s6, $0x1;
	s6 =	sadd.s32 s21, s4  }
0xa3: {  	[timem:s8], [sflag:s22] =	dma.local [hbm:s6], s20  }
0xa4: {  	_ =	swait.ge [sflag:s22], s20  }
0xa5: {  	s5 =	ssub.s32 $0x0, s20;
	[sflag:s22] =	ssyncset.done $0x0  }
0xa6: {  	[sflag:s22] =	ssyncadd.s32 s5;
	_ =	sdelay $0x1  }
0xa7: {  	s23 =	simm.s32 $0x1B8B  }
0xa8: {  	_ =	swait.ge [sflag:s23], $0x1  }
0xa9: {  	[sflag:s23] =	ssyncset.done $0x0  }
0xaa: {  	s25 =	simm.s32 $0x1B8E;
	s24 =	sld [smem:$0x3FFE];
	[sflag:s23] =	ssyncadd.s32 $0xFFFFFFFF  }
0xab: {  	s26 =	simm.s32 $execute0_lowered;
	[smem:$0x3FD2] =	sst s25  }
0xac: {  	s6 =	sshll.u32 s26, $0x1;
	_ =	strace $0x80000046;
	[dreg:$0x1] =	wrdreg $0xFFFFFFFF  }
0xad: {  	s28 =	simm.s32 $_size_execute0_lowered;
	s4 =	sadd.s32 s4, s6;
	[dreg:$0x0] =	wrdreg $0x0  }
0xae: {  	s6 =	sshll.u32 s28, $0x1;
	[dreg:$0x2] =	wrdreg s4  }
0xaf: {  	[dreg:$0x3] =	wrdreg s6  }
0xb0: {  	[dreg:$0x4] =	wrdreg $0xC0  }
0xb1: {  	_ =	task [dreg:s8], $0x5FFFF  }
0xb2: {  	[dreg:$0x1] =	wrdreg $0xFFFFFFFF  }
0xb3: {  	[dreg:$0x0] =	wrdreg $0x60  }
0xb4: {  	[dreg:$0x2] =	wrdreg s24  }
0xb5: {  	[dreg:$0x3] =	wrdreg s16  }
0xb6: {  	[dreg:$0x4] =	wrdreg s17  }
0xb7: {  	[dreg:$0x5] =	wrdreg $0x2A100  }
0xb8: {  	[dreg:$0x6] =	wrdreg $0x9  }
0xb9: {  	_ =	task.clear_ibuf [dreg:s8], $0x7FFFF;
	_ =	strace $0x90000046  }
0xba: {  	s29 =	simm.s32 $0x9;
	_ =	strace $0x80000048  }
0xbb: {  	_ =	swait.ge [sflag:s29], $0x1  }
0xbc: {  	[sflag:s29] =	ssyncadd.s32 $0xFFFFFFFF  }
0xbd: {  	_ =	strace $0x90000048  }
0xbe: {  	_ =	sfence  }
0xbf: {  	s30 =	sld [smem:$0x0];
	_ =	sdelay $0x2  }
0xc0: {  	s31 =	sshll.u32 s1, $0xD;
	s1 =	sshrl.u32 s1, $0x2  }
0xc1: {  	s3 =	sand.u32 $0x4000, s31;
	s1 =	sadd.s32 s1, s30  }
0xc2: {  	s0 =	sor.u32 s3, s0;
	s1 =	sshll.u32 s1, $0x11  }
0xc3: {  	s0 =	sor.u32 s1, s0  }
0xc4: {  	s0 =	sadd.s32 $0x8F2B, s0  }
0xc5: {  	[sflag:s0] =	ssyncadd.remote.s32 $0x1  }
0xc6: {  	_ =	sfence.sel $0xFFFF  }
0xc7: {  	[dreg:$0x0] =	wrdreg $0xFFFFFFFF;
	(pc) =	sbr.abs _section_cstart, $3  }
0xc8: {  	[dreg:$0x1] =	wrdreg $0xFFFFFFFF  }
0xc9: {  	_ =	task.clear_ibuf [dreg:s8], $0x2FFFF;
	_ =	strace $0x9FFFFFFF  }
0xca: {  	(tm) =	ssettm $0x7FFFFFFF  }
0xcb: {  	_ =	shalt  }
tec
execute0_lowered:
.L_overlay_start_1:
0x0: {  	(tag) =	ssettag $0x1  }
0x1: {  	s6 =	rddreg [dreg:$0x0]  }
0x2: {  	s1 =	rddreg [dreg:$0x1]  }
0x3: {  	s8 =	rddreg [dreg:$0x2]  }
0x4: {  	s0 =	srdreg.scid;
	s3 =	rddreg [dreg:$0x3]  }
0x5: {  	s4 =	simm.s32 $0x0;
	s13 =	simm.s32 $0x80;
	s14 =	simm.s32 $0x1  }
0x6: {  	s15 =	simm.s32 $0x2;
	s16 =	simm.s32 $0x3;
	s17 =	simm.s32 $0x4  }
0x7: {  	s18 =	simm.s32 $0x5;
	s19 =	simm.s32 $0x6;
	s20 =	simm.s32 $0x10  }
0x8: {  	s21 =	simm.s32 $0x2700;
	s5 =	sand.u32 $0x1, s0;
	s0 =	stileid.u32  }
0x9: {  	s22 =	simm.s32 $0x0;
	[smem:$0x7FF] =	sst s4;
	s9 =	smul.u32 $0x280, s0  }
0xa: {  	s2 =	sshll.u32 s5, $0x4;
	s10 =	ssub.s32 $0x2, s5;
	s11 =	smul.u32 $0x2800, s5  }
0xb: {  	s5 =	sadd.s32 $0x15400, s6;
	s7 =	sor.u32 s0, s2;
	s2 =	rddreg [dreg:$0x4]  }
0xc: {  	_ =	strace $0x80000047;
	s12 =	sshrl.u32 s10, $0x1;
	s7 =	smul.u32 $0x2710, s7  }
0xd: {  	s10 =	ssub.s32 s10, s12;
	s11 =	sadd.s32 s9, s11;
	s12 =	simm.s32 $0x2990  }
0xe: {  	s31 =	sshrl.u32 s11, $0x3;
	s11 =	simm.s32 $0x2710;
	s7 =	sshrl.u32 s7, $0x3  }
0xf: {  	s8 =	sadd.s32 s8, s31;
	s6 =	sadd.s32 s6, s7;
	s7 =	sadd.s32 s9, s3  }
0x10: {  	s9 =	smax.u32 s10, $0x1;
	s10 =	simm.s32 $0x7;
	s6 =	sadd.s32 $0xB640, s6  }
.LBB2_1:
0x11: {  	[tilespmem:s4], [sflag:$0x7] =	stream.linear.gather [hbm4b:s6+s4], $0x2710, $0x38;
	[tilespmem:$0x2C90] =	vst v63  }
0x12: {  	_ =	swait.ge [sflag:s10], $0x2710  }
0x13: {  	[sflag:s10] =	ssyncset.done $0x0  }
0x14: {  	[sflag:s10] =	ssyncadd.s32 $0xFFFFD8F0  }
0x15: {  	[tilespmem:s11], [sflag:$0x7] =	stream.linear.gather [hbm4b:s1+s4], $0x280, $0x38;
	[tilespmem:$0x2C90] =	vst v63  }
0x16: {  	_ =	swait.ge [sflag:s10], $0x280  }
0x17: {  	[sflag:s10] =	ssyncset.done $0x0  }
0x18: {  	[sflag:s10] =	ssyncadd.s32 $0xFFFFFD80  }
0x19: {  	[tilespmem:s12], [sflag:$0x7] =	stream.linear.gather [hbm4b:s5+s4], $0x80, $0x38;
	[tilespmem:$0x2C90] =	vst v63  }
0x1a: {  	_ =	swait.ge [sflag:s10], $0x80  }
0x1b: {  	[sflag:s10] =	ssyncset.done $0x0  }
0x1c: {  	[sflag:s10] =	ssyncadd.s32 $0xFFFFFF80  }
0x1d: {  	[spmem:s7] =	stream.linear.scatter [tilespmem:s11], [sflag:$0x7], $0x280, $0x38;
	[tilespmem:$0x2C90] =	vst v63  }
0x1e: {  	_ =	swait.ge [sflag:s10], $0x280  }
0x1f: {  	[sflag:s10] =	ssyncset.done $0x0  }
0x20: {  	[sflag:s10] =	ssyncadd.s32 $0xFFFFFD80  }
0x21: {  	s23 =	simm.s32 $0x0;
	[bflag:$0x0] =	sbarrier.arrive $0xFFFF  }
0x22: {  	[spmem:s3] =	stream.indirect.scatter.add.f32 [tilespmem:s12], [sflag:$0x1], $0x1, s23, s13, $0xb8;
	[tilespmem:$0x2C90] =	vst v63  }
0x23: {  	s26 =	simm.s32 $0x80  }
0x24: {  	[spmem:s3] =	stream.indirect.scatter.add.f32 [tilespmem:s12], [sflag:$0x2], $0x1, s26, s13, $0xb8;
	[tilespmem:$0x2C90] =	vst v63  }
0x25: {  	s28 =	simm.s32 $0x100  }
0x26: {  	[spmem:s3] =	stream.indirect.scatter.add.f32 [tilespmem:s12], [sflag:$0x3], $0x1, s28, s13, $0xb8;
	[tilespmem:$0x2C90] =	vst v63  }
0x27: {  	s29 =	simm.s32 $0x180  }
0x28: {  	[spmem:s3] =	stream.indirect.scatter.add.f32 [tilespmem:s12], [sflag:$0x4], $0x1, s29, s13, $0xb8;
	[tilespmem:$0x2C90] =	vst v63  }
0x29: {  	s30 =	simm.s32 $0x200  }
0x2a: {  	[spmem:s3] =	stream.indirect.scatter.add.f32 [tilespmem:s12], [sflag:$0x5], $0x1, s30, s13, $0xb8;
	[tilespmem:$0x2C90] =	vst v63  }
0x2b: {  	s31 =	simm.s32 $0x280  }
0x2c: {  	[spmem:s3] =	stream.indirect.scatter.add.f32 [tilespmem:s12], [sflag:$0x6], $0x1, s31, s13, $0xb8;
	[tilespmem:$0x2C90] =	vst v63  }
0x2d: {  	_ =	swait.ge [sflag:s14], $0x80  }
0x2e: {  	[sflag:s14] =	ssyncset.done $0x0  }
0x2f: {  	[sflag:s14] =	ssyncadd.s32 $0xFFFFFF80  }
0x30: {  	_ =	swait.ge [sflag:s15], $0x80  }
0x31: {  	[sflag:s15] =	ssyncset.done $0x0  }
0x32: {  	[sflag:s15] =	ssyncadd.s32 $0xFFFFFF80  }
0x33: {  	_ =	swait.ge [sflag:s16], $0x80  }
0x34: {  	[sflag:s16] =	ssyncset.done $0x0  }
0x35: {  	[sflag:s16] =	ssyncadd.s32 $0xFFFFFF80  }
0x36: {  	_ =	swait.ge [sflag:s17], $0x80  }
0x37: {  	[sflag:s17] =	ssyncset.done $0x0  }
0x38: {  	[sflag:s17] =	ssyncadd.s32 $0xFFFFFF80  }
0x39: {  	_ =	swait.ge [sflag:s18], $0x80  }
0x3a: {  	[sflag:s18] =	ssyncset.done $0x0  }
0x3b: {  	[sflag:s18] =	ssyncadd.s32 $0xFFFFFF80  }
0x3c: {  	_ =	swait.ge [sflag:s19], $0x80  }
0x3d: {  	s24 =	simm.s32 $0x1800;
	s23 =	simm.s32 $0xC00;
	[sflag:s19] =	ssyncset.done $0x0  }
.LBB2_2:
0x3e: {  	s25 =	sshra.s32 s23, $0x2  }
0x3f: {  	[sflag:s19] =	ssyncadd.s32 $0xFFFFFF80;
	s23 =	smov.u32 s24;
	s26 =	sadd.s32 $0xC00, s24  }
0x40: {  	[spmem:s3] =	stream.indirect.scatter.add.f32 [tilespmem:s12], [sflag:$0x1], $0x1, s25, s13, $0xb8;
	[tilespmem:$0x2C90] =	vst v63  }
0x41: {  	p0 =	sne.s32 s24, $0x9000;
	s24 =	sadd.s32 $0x80, s25  }
0x42: {  	[spmem:s3] =	stream.indirect.scatter.add.f32 [tilespmem:s12], [sflag:$0x2], $0x1, s24, s13, $0xb8;
	[tilespmem:$0x2C90] =	vst v63  }
0x43: {  	s24 =	sadd.s32 $0x100, s25  }
0x44: {  	[spmem:s3] =	stream.indirect.scatter.add.f32 [tilespmem:s12], [sflag:$0x3], $0x1, s24, s13, $0xb8;
	[tilespmem:$0x2C90] =	vst v63  }
0x45: {  	s24 =	sadd.s32 $0x180, s25  }
0x46: {  	[spmem:s3] =	stream.indirect.scatter.add.f32 [tilespmem:s12], [sflag:$0x4], $0x1, s24, s13, $0xb8;
	[tilespmem:$0x2C90] =	vst v63  }
0x47: {  	s24 =	sadd.s32 $0x200, s25  }
0x48: {  	[spmem:s3] =	stream.indirect.scatter.add.f32 [tilespmem:s12], [sflag:$0x5], $0x1, s24, s13, $0xb8;
	[tilespmem:$0x2C90] =	vst v63  }
0x49: {  	s24 =	sadd.s32 $0x280, s25  }
0x4a: {  	[spmem:s3] =	stream.indirect.scatter.add.f32 [tilespmem:s12], [sflag:$0x6], $0x1, s24, s13, $0xb8;
	[tilespmem:$0x2C90] =	vst v63  }
0x4b: {  	_ =	swait.ge [sflag:s14], $0x80  }
0x4c: {  	[sflag:s14] =	ssyncset.done $0x0  }
0x4d: {  	[sflag:s14] =	ssyncadd.s32 $0xFFFFFF80  }
0x4e: {  	_ =	swait.ge [sflag:s15], $0x80  }
0x4f: {  	[sflag:s15] =	ssyncset.done $0x0  }
0x50: {  	[sflag:s15] =	ssyncadd.s32 $0xFFFFFF80  }
0x51: {  	_ =	swait.ge [sflag:s16], $0x80  }
0x52: {  	[sflag:s16] =	ssyncset.done $0x0  }
0x53: {  	[sflag:s16] =	ssyncadd.s32 $0xFFFFFF80  }
0x54: {  	_ =	swait.ge [sflag:s17], $0x80  }
0x55: {  	[sflag:s17] =	ssyncset.done $0x0  }
0x56: {  	[sflag:s17] =	ssyncadd.s32 $0xFFFFFF80  }
.Ltmp0:
0x57: {  	_ =	swait.ge [sflag:s18], $0x80;
	(pc) =	sbr.rel @p0 .LBB2_2-.Ltmp0, $4  }
0x58: {  	[sflag:s18] =	ssyncset.done $0x0  }
0x59: {  	[sflag:s18] =	ssyncadd.s32 $0xFFFFFF80  }
0x5a: {  	_ =	swait.ge [sflag:s19], $0x80  }
0x5b: {  	s24 =	smov.u32 s26;
	[sflag:s19] =	ssyncset.done $0x0  }
0x5c: {  	s23 =	sshra.s32 s23, $0x2;
	[sflag:s19] =	ssyncadd.s32 $0xFFFFFF80  }
0x5d: {  	[spmem:s3] =	stream.indirect.scatter.add.f32 [tilespmem:s12], [sflag:$0x1], $0x1, s23, s13, $0xb8;
	[tilespmem:$0x2C90] =	vst v63  }
0x5e: {  	s24 =	sadd.s32 $0x80, s23  }
0x5f: {  	[spmem:s3] =	stream.indirect.scatter.add.f32 [tilespmem:s12], [sflag:$0x2], $0x1, s24, s13, $0xb8;
	[tilespmem:$0x2C90] =	vst v63  }
0x60: {  	s29 =	sadd.s32 $0x100, s23  }
0x61: {  	[spmem:s3] =	stream.indirect.scatter.add.f32 [tilespmem:s12], [sflag:$0x3], $0x1, s29, s13, $0xb8;
	[tilespmem:$0x2C90] =	vst v63  }
0x62: {  	s30 =	sadd.s32 $0x180, s23  }
0x63: {  	[spmem:s3] =	stream.indirect.scatter.add.f32 [tilespmem:s12], [sflag:$0x4], $0x1, s30, s13, $0xb8;
	[tilespmem:$0x2C90] =	vst v63  }
0x64: {  	s31 =	sadd.s32 $0x200, s23  }
0x65: {  	[spmem:s3] =	stream.indirect.scatter.add.f32 [tilespmem:s12], [sflag:$0x5], $0x1, s31, s13, $0xb8;
	[tilespmem:$0x2C90] =	vst v63  }
0x66: {  	s23 =	sadd.s32 $0x280, s23  }
0x67: {  	[spmem:s3] =	stream.indirect.scatter.add.f32 [tilespmem:s12], [sflag:$0x6], $0x1, s23, s13, $0xb8;
	[tilespmem:$0x2C90] =	vst v63  }
0x68: {  	_ =	swait.ge [sflag:s14], $0x80  }
0x69: {  	[sflag:s14] =	ssyncset.done $0x0  }
0x6a: {  	[sflag:s14] =	ssyncadd.s32 $0xFFFFFF80  }
0x6b: {  	_ =	swait.ge [sflag:s15], $0x80  }
0x6c: {  	[sflag:s15] =	ssyncset.done $0x0  }
0x6d: {  	[sflag:s15] =	ssyncadd.s32 $0xFFFFFF80  }
0x6e: {  	_ =	swait.ge [sflag:s16], $0x80  }
0x6f: {  	[sflag:s16] =	ssyncset.done $0x0  }
0x70: {  	[sflag:s16] =	ssyncadd.s32 $0xFFFFFF80  }
0x71: {  	_ =	swait.ge [sflag:s17], $0x80  }
0x72: {  	[sflag:s17] =	ssyncset.done $0x0  }
0x73: {  	[sflag:s17] =	ssyncadd.s32 $0xFFFFFF80  }
0x74: {  	_ =	swait.ge [sflag:s18], $0x80  }
0x75: {  	[sflag:s18] =	ssyncset.done $0x0  }
0x76: {  	[sflag:s18] =	ssyncadd.s32 $0xFFFFFF80  }
0x77: {  	_ =	swait.ge [sflag:s19], $0x80  }
0x78: {  	[sflag:s19] =	ssyncset.done $0x0  }
0x79: {  	[sflag:s19] =	ssyncadd.s32 $0xFFFFFF80  }
0x7a: {  	[spmem:s3] =	stream.indirect.scatter.add.f32 [tilespmem:s12], [sflag:$0x7], $0x1, s21, s20, $0xb8;
	[tilespmem:$0x2C90] =	vst v63  }
0x7b: {  	_ =	swait.ge [sflag:s10], $0x10  }
0x7c: {  	[sflag:s10] =	ssyncset.done $0x0  }
0x7d: {  	[sflag:s10] =	ssyncadd.s32 $0xFFFFFFF0  }
0x7e: {  	[bflag:$0x0] =	sbarrier.arrive $0xFFFF  }
0x7f: {  	[tilespmem:s11], [sflag:$0x7] =	stream.linear.gather [spmem:s7], $0x280, $0x38;
	[tilespmem:$0x2C90] =	vst v63  }
0x80: {  	s22 =	sadd.s32 $0x1, s22;
	_ =	swait.ge [sflag:s10], $0x280  }
0x81: {  	p0 =	sne.s32 s22, s9;
	[sflag:s10] =	ssyncset.done $0x0  }
.Ltmp1:
0x82: {  	[sflag:s10] =	ssyncadd.s32 $0xFFFFFD80;
	(pc) =	sbr.rel @p0 .LBB2_1-.Ltmp1, $4  }
0x83: {  	[hbm4b:s8+s4] =	stream.linear.scatter [tilespmem:s11], [sflag:$0x7], $0x280, $0x38;
	[tilespmem:$0x2C90] =	vst v63  }
0x84: {  	_ =	swait.ge [sflag:s10], $0x280  }
0x85: {  	[sflag:s10] =	ssyncset.done $0x0  }
0x86: {  	[sflag:s10] =	ssyncadd.s32 $0xFFFFFD80  }
0x87: {  	_ =	sfence.sel $0x180000  }
0x88: {  	[bflag:$0x0] =	sbarrier.arrive $0xFFFF  }
0x89: {  	p0 =	sne.s32 s0, $0x0;
	_ =	strace $0x90000047  }
0x8a: {  	s0 =	sadd.s32 @!p0 $0x100000, s2;
	[bflag:$0x2] =	sbarrier.arrive $0xFFFF  }
0x8b: {  	[sflag:s0] =	ssyncadd.tile.s32 @!p0 $0x1;
	_ =	shalt  }
.Lfunc_end2:
_tile_overlayer_lowered:
.L_overlay_start_2:
0x8c: {  	(tag) =	ssettag $0x2  }
0x8d: {  	s0 =	rddreg [dreg:$0x0];
	s2 =	stileid.u32  }
0x8e: {  	s1 =	rddreg [dreg:$0x1];
	p0 =	sne.s32 s2, $0x0  }
0x8f: {  	s3 =	rddreg [dreg:$0x2];
	[bflag:$0x3] =	sbarrier.arrive $0xFFFF;
	s2 =	simm.s32 @!p0 $0x1C07  }
0x90: {  	[timem:s3], [sflag:s2] =	dma.local @!p0 [hbm:s0], s1  }
0x91: {  	s0 =	simm.s32 @!p0 $0x7  }
0x92: {  	_ =	swait.ge @!p0 [sflag:s0], s1  }
0x93: {  	s1 =	ssub.s32 @!p0 $0x0, s1;
	[sflag:s0] =	ssyncset.done @!p0 $0x0  }
0x94: {  	[sflag:s0] =	ssyncadd.s32 @!p0 s1  }
0x95: {  	[bflag:$0x3] =	sbarrier.arrive $0xFFFF  }
0x96: {  	_ =	shalt  }

// kernel: kernel.9.cloned.1.call-start
scs
__scs_entry_jumppad:
0x0: {  	(pc) =	sbr.rel $0x88, $3  }
0x1: {  	(tag) =	ssettag $0x0;
	lr =	simm.s32 $0x1  }
0x2: {  	[smem:$0x3F9B] =	sst lr;
	_ =	strace $0xD0000000  }
0x3: {  	_ = 	snop  }
0x4: {  	_ = 	snop  }
0x5: {  	_ = 	snop  }
0x6: {  	_ = 	snop  }
0x7: {  	_ = 	snop  }
__scs_overlays_trampoline_lowered:
0x8: {  	[smem:$0x3FAA] =	sst s0  }
0x9: {  	[smem:$0x3FAB] =	sst s1  }
0xa: {  	[smem:$0x3FAC] =	sst s2  }
0xb: {  	[smem:$0x3FAD] =	sst s3  }
0xc: {  	[smem:$0x3FAE] =	sst s4  }
0xd: {  	[smem:$0x3FAF] =	sst s5  }
0xe: {  	[smem:$0x3FB0] =	sst s6  }
0xf: {  	[smem:$0x3FB1] =	sst s7  }
0x10: {  	[smem:$0x3FB2] =	sst s8  }
0x11: {  	[smem:$0x3FB3] =	sst s9;
	s0 =	simm.s32 @!p0 $0x0  }
0x12: {  	s1 =	sld [smem:$0x3F99];
	s0 =	simm.s32 @p0 $0x1  }
0x13: {  	[smem:$0x3FB4] =	sst s0;
	s0 =	simm.s32 @!p1 $0x0  }
0x14: {  	s2 =	sld [smem:$0x3F98];
	s0 =	simm.s32 @p1 $0x1  }
0x15: {  	[smem:$0x3FB5] =	sst s0;
	s0 =	simm.s32 @!p2 $0x0  }
0x16: {  	s3 =	sld [smem:$0x3FDB];
	s0 =	simm.s32 @p2 $0x1  }
0x17: {  	s4 =	simm.s32 $0x1BF5;
	[smem:$0x3FB7] =	sst s0  }
0x18: {  	s0 =	sld [smem:$0x3F9A];
	_ =	swait.ge [sflag:s4], $0x0  }
0x19: {  	s7 =	sld [smem:$0x3F9B]  }
0x1a: {  	s8 =	sadd.s32 $0xFFFFE003, lr  }
0x1b: {  	s9 =	sadd.s32 $0xFFFFFEF7, lr;
	s5 =	simm.s32 $0xFFFFFFFF;
	p2 =	slt.u32 s8, $0xFFFFF086  }
0x1c: {  	p1 =	slt.u32 s9, $0xF7A;
	s5 =	simm.s32 @!p2 $0x0  }
0x1d: {  	s5 =	simm.s32 @p1 $0x1;
	p0 =	seq.s32 s7, s2  }
0x1e: {  	s7 =	smul.u32 @!p0 $0xF7A, s2;
	p2 =	seq.s32 @!p0 s5, $0x0  }
0x1f: {  	s9 =	smul.u32 $0xF7A, s1;
	s8 =	simm.s32 @!p0 $0x1BF5;
	p2 =	por !p2, p0  }
0x20: {  	[sflag:s8] =	ssyncset.s32 @!p0 $0xFFFFF086;
	s6 =	sadd.s32 @!p0 s3, s7;
	s7 =	simm.s32 @!p0 $0x108  }
0x21: {  	s3 =	sadd.s32 s3, s9;
	s6 =	sadd.s32 @!p0 $0x88, s6;
	s7 =	simm.s32 @p2 $0x1082  }
0x22: {  	[simem:s7], [sflag:s8] =	dma.local @!p0 [hbm:s6], $0xF7A  }
0x23: {  	s9 =	sor.u32 $0xD0000000, s2;
	s6 =	simm.s32 $0x108;
	_ =	swait.ge @!p0 [sflag:s8], $0x0  }
0x24: {  	s3 =	sadd.s32 $0x88, s3;
	s6 =	simm.s32 @!p1 $0x1082;
	[sflag:s4] =	ssyncset.s32 $0xFFFFF086  }
0x25: {  	[simem:s6], [sflag:s4] =	dma.local [hbm:s3], $0xF7A  }
0x26: {  	[smem:$0x3F9B] =	sst s1;
	(tag) =	ssettag s2;
	_ =	strace s9  }
0x27: {  	s1 =	sld [smem:$0x3FAB]  }
0x28: {  	s2 =	sld [smem:$0x3FAC]  }
0x29: {  	s4 =	sld [smem:$0x3FAE]  }
0x2a: {  	p0 =	seq.s32 s5, $0x0;
	s5 =	sld [smem:$0x3FAF]  }
0x2b: {  	s6 =	sld [smem:$0x3FB0]  }
0x2c: {  	s7 =	sld [smem:$0x3FB1]  }
0x2d: {  	s3 =	simm.s32 $0x108;
	s8 =	sld [smem:$0x3FB2]  }
0x2e: {  	s3 =	simm.s32 @!p0 $0x1082;
	s9 =	sld [smem:$0x3FB3]  }
0x2f: {  	lr =	sadd.s32 s0, s3;
	s0 =	sld [smem:$0x3FAA]  }
0x30: {  	s3 =	sld [smem:$0x3FAD]  }
0x31: {  	[smem:$0x3FB6] =	sst s10  }
0x32: {  	s10 =	sld [smem:$0x3FB4];
	_ =	sdelay $0x3  }
0x33: {  	p0 =	seq.s32 s10, $0x1;
	s10 =	sld [smem:$0x3FB6];
	_ =	sdelay $0x3  }
0x34: {  	[smem:$0x3FB6] =	sst s10  }
0x35: {  	s10 =	sld [smem:$0x3FB5];
	_ =	sdelay $0x3  }
0x36: {  	p1 =	seq.s32 s10, $0x1;
	s10 =	sld [smem:$0x3FB6];
	_ =	sdelay $0x3  }
0x37: {  	[smem:$0x3FB6] =	sst s10  }
0x38: {  	s10 =	sld [smem:$0x3FB7]  }
0x39: {  	_ = 	snop;
	(pc) =	sbr.ind lr, $3  }
0x3a: {  	_ = 	snop  }
0x3b: {  	_ = 	snop  }
0x3c: {  	p2 =	seq.s32 s10, $0x1;
	s10 =	sld [smem:$0x3FB6]  }
0x3d: {  	_ =	shalt  }
0x3e: {  	_ =	shalt  }
0x3f: {  	_ =	shalt  }
0x40: {  	_ =	shalt  }
0x41: {  	_ =	shalt  }
0x42: {  	_ =	shalt  }
0x43: {  	_ =	shalt  }
0x44: {  	_ =	shalt  }
0x45: {  	_ =	shalt  }
0x46: {  	_ =	shalt  }
0x47: {  	_ =	shalt  }
0x48: {  	_ =	shalt  }
0x49: {  	_ =	shalt  }
0x4a: {  	_ =	shalt  }
0x4b: {  	_ =	shalt  }
0x4c: {  	_ =	shalt  }
0x4d: {  	_ =	shalt  }
0x4e: {  	_ =	shalt  }
0x4f: {  	_ =	shalt  }
0x50: {  	_ =	shalt  }
0x51: {  	_ =	shalt  }
0x52: {  	_ =	shalt  }
0x53: {  	_ =	shalt  }
0x54: {  	_ =	shalt  }
0x55: {  	_ =	shalt  }
0x56: {  	_ =	shalt  }
0x57: {  	_ =	shalt  }
0x58: {  	_ =	shalt  }
0x59: {  	_ =	shalt  }
0x5a: {  	_ =	shalt  }
0x5b: {  	_ =	shalt  }
0x5c: {  	_ =	shalt  }
0x5d: {  	_ =	shalt  }
0x5e: {  	_ =	shalt  }
0x5f: {  	_ =	shalt  }
0x60: {  	_ =	shalt  }
0x61: {  	_ =	shalt  }
0x62: {  	_ =	shalt  }
0x63: {  	_ =	shalt  }
0x64: {  	_ =	shalt  }
0x65: {  	_ =	shalt  }
0x66: {  	_ =	shalt  }
0x67: {  	_ =	shalt  }
0x68: {  	_ =	shalt  }
0x69: {  	_ =	shalt  }
0x6a: {  	_ =	shalt  }
0x6b: {  	_ =	shalt  }
0x6c: {  	_ =	shalt  }
0x6d: {  	_ =	shalt  }
0x6e: {  	_ =	shalt  }
0x6f: {  	_ =	shalt  }
0x70: {  	_ =	shalt  }
0x71: {  	_ =	shalt  }
0x72: {  	_ =	shalt  }
0x73: {  	_ =	shalt  }
0x74: {  	_ =	shalt  }
0x75: {  	_ =	shalt  }
0x76: {  	_ =	shalt  }
0x77: {  	_ =	shalt  }
0x78: {  	_ =	shalt  }
0x79: {  	_ =	shalt  }
0x7a: {  	_ =	shalt  }
0x7b: {  	_ =	shalt  }
0x7c: {  	_ =	shalt  }
0x7d: {  	_ =	shalt  }
0x7e: {  	_ =	shalt  }
0x7f: {  	_ =	shalt  }
0x80: {  	_ =	shalt  }
0x81: {  	_ =	shalt  }
0x82: {  	_ =	shalt  }
0x83: {  	_ =	shalt  }
0x84: {  	_ =	shalt  }
0x85: {  	_ =	shalt  }
0x86: {  	_ =	shalt  }
0x87: {  	_ =	shalt  }
.Lfunc_end0:
.L_simem_size_0:
called_computation.1_lowered:
.L_overlay_start_0:
0x88: {  	s2 =	sld [smem:$0x3FD9]  }
0x89: {  	s3 =	sld [smem:$0x3FFE];
	_ =	sdelay $0x1  }
0x8a: {  	s1 =	srdreg.scid  }
0x8b: {  	s0 =	sand.u32 $0x1, s1  }
0x8c: {  	s14 =	sshll.u32 s0, $0xA;
	s2 =	sadd.s32 s3, s2  }
0x8d: {  	s2 =	sadd.s32 s2, s14  }
0x8e: {  	[smem:$0x3FC2] =	sst s2  }
0x8f: {  	_ = 	snop  }
0x90: {  	s2 =	sld [smem:$0x3FD0];
	_ =	sdelay $0x2  }
0x91: {  	s15 =	simm.s32 $0xA;
	s4 =	simm.s32 $0x10  }
0x92: {  	[smem:s4], [sflag:s15] =	dma.local [hbm:s2], $0x1  }
0x93: {  	_ =	swait.eq [sflag:s15], $0x1  }
0x94: {  	[sflag:s15] =	ssyncset.done $0x0  }
0x95: {  	[sflag:s15] =	ssyncadd.s32 $0xFFFFFFFF  }
0x96: {  	s16 =	sld [smem:$0x11];
	(tm) =	ssettm $0x1  }
0x97: {  	s17 =	sld [smem:$0x3FFB];
	_ =	sdelay $0x3  }
0x98: {  	_ =	strace s17  }
0x99: {  	s3 =	sld [smem:$0x3FFC];
	_ =	sdelay $0x3  }
0x9a: {  	_ =	strace s3  }
0x9b: {  	s3 =	sld [smem:$0x3FFD];
	_ =	sdelay $0x3  }
0x9c: {  	_ =	strace s3  }
0x9d: {  	_ =	strace $0x8FFFFFFF  }
0x9e: {  	s18 =	sld [smem:$0x3FDB];
	_ =	sdelay $0x1  }
0x9f: {  	s19 =	simm.s32 $_scs_section_size  }
0xa0: {  	s5 =	simm.s32 $_size__tile_overlayer_lowered;
	s6 =	simm.s32 $_tile_overlayer_lowered  }
0xa1: {  	s22 =	simm.s32 $0x1BFF;
	s21 =	sshll.u32 s6, $0x1;
	s3 =	sadd.s32 s19, s18  }
0xa2: {  	s7 =	simm.s32 $0x0;
	s20 =	sshll.u32 s5, $0x1;
	s5 =	sadd.s32 s21, s3  }
0xa3: {  	[timem:s7], [sflag:s22] =	dma.local [hbm:s5], s20  }
0xa4: {  	_ =	swait.ge [sflag:s22], s20  }
0xa5: {  	s4 =	ssub.s32 $0x0, s20;
	[sflag:s22] =	ssyncset.done $0x0  }
0xa6: {  	[sflag:s22] =	ssyncadd.s32 s4;
	_ =	sdelay $0x1  }
0xa7: {  	s23 =	simm.s32 $0x1B8B  }
0xa8: {  	_ =	swait.ge [sflag:s23], $0x1  }
0xa9: {  	[sflag:s23] =	ssyncset.done $0x0  }
0xaa: {  	s25 =	simm.s32 $0x1B8E;
	s24 =	sld [smem:$0x3FFE];
	[sflag:s23] =	ssyncadd.s32 $0xFFFFFFFF  }
0xab: {  	s26 =	simm.s32 $execute0_lowered;
	[smem:$0x3FD2] =	sst s25  }
0xac: {  	s5 =	sshll.u32 s26, $0x1;
	_ =	strace $0x80000049;
	[dreg:$0x1] =	wrdreg $0xFFFFFFFF  }
0xad: {  	s28 =	simm.s32 $_size_execute0_lowered;
	s3 =	sadd.s32 s3, s5;
	[dreg:$0x0] =	wrdreg $0x0  }
0xae: {  	s5 =	sshll.u32 s28, $0x1;
	[dreg:$0x2] =	wrdreg s3  }
0xaf: {  	[dreg:$0x3] =	wrdreg s5  }
0xb0: {  	[dreg:$0x4] =	wrdreg $0xC0  }
0xb1: {  	_ =	task [dreg:s7], $0x5FFFF  }
0xb2: {  	[dreg:$0x1] =	wrdreg $0xFFFFFFFF  }
0xb3: {  	[dreg:$0x0] =	wrdreg $0x60  }
0xb4: {  	[dreg:$0x2] =	wrdreg s24  }
0xb5: {  	[dreg:$0x3] =	wrdreg s16  }
0xb6: {  	[dreg:$0x4] =	wrdreg $0x14AA00  }
0xb7: {  	[dreg:$0x5] =	wrdreg $0xAE200  }
0xb8: {  	[dreg:$0x6] =	wrdreg $0x9  }
0xb9: {  	_ =	task.clear_ibuf [dreg:s7], $0x7FFFF;
	_ =	strace $0x90000049  }
0xba: {  	s29 =	simm.s32 $0x9;
	_ =	strace $0x8000004B  }
0xbb: {  	_ =	swait.ge [sflag:s29], $0x1  }
0xbc: {  	[sflag:s29] =	ssyncadd.s32 $0xFFFFFFFF  }
0xbd: {  	_ =	strace $0x9000004B  }
0xbe: {  	_ =	sfence  }
0xbf: {  	s30 =	sld [smem:$0x0];
	_ =	sdelay $0x2  }
0xc0: {  	s31 =	sshll.u32 s1, $0xD;
	s1 =	sshrl.u32 s1, $0x2  }
0xc1: {  	s3 =	sand.u32 $0x4000, s31;
	s1 =	sadd.s32 s1, s30  }
0xc2: {  	s0 =	sor.u32 s3, s0;
	s1 =	sshll.u32 s1, $0x11  }
0xc3: {  	s0 =	sor.u32 s1, s0  }
0xc4: {  	s0 =	sadd.s32 $0x8F2B, s0  }
0xc5: {  	[sflag:s0] =	ssyncadd.remote.s32 $0x1  }
0xc6: {  	_ =	sfence.sel $0xFFFF  }
0xc7: {  	[dreg:$0x0] =	wrdreg $0xFFFFFFFF;
	(pc) =	sbr.abs _section_cstart, $3  }
0xc8: {  	[dreg:$0x1] =	wrdreg $0xFFFFFFFF  }
0xc9: {  	_ =	task.clear_ibuf [dreg:s7], $0x2FFFF;
	_ =	strace $0x9FFFFFFF  }
0xca: {  	(tm) =	ssettm $0x7FFFFFFF  }
0xcb: {  	_ =	shalt  }
tec
execute0_lowered:
.L_overlay_start_1:
0x0: {  	(tag) =	ssettag $0x1  }
0x1: {  	s1 =	rddreg [dreg:$0x0]  }
0x2: {  	s0 =	srdreg.scid;
	s3 =	rddreg [dreg:$0x2]  }
0x3: {  	s9 =	stileid.u32;
	s4 =	rddreg [dreg:$0x3];
	s5 =	simm.s32 $0x0  }
0x4: {  	s21 =	simm.s32 $0x7;
	s29 =	simm.s32 $0x8E20;
	s30 =	simm.s32 $0x1  }
0x5: {  	s31 =	simm.s32 $0x2;
	s28 =	simm.s32 $0x10;
	s0 =	sand.u32 $0x1, s0  }
0x6: {  	[smem:$0x7FF] =	sst s5;
	s6 =	sadd.s32 $0x15400, s1;
	s2 =	sshll.u32 s0, $0x4  }
0x7: {  	s7 =	ssub.s32 $0x2, s0;
	s2 =	sor.u32 s9, s2;
	s9 =	smul.u32 $0x9C40, s9  }
0x8: {  	_ =	strace $0x8000004A;
	s0 =	smul.u32 $0x9C400, s0;
	s8 =	sshrl.u32 s7, $0x1  }
0x9: {  	s2 =	smul.u32 $0x2710, s2;
	s7 =	ssub.s32 s7, s8;
	s15 =	sadd.s32 s9, s3  }
0xa: {  	s22 =	sshrl.u32 s9, $0x3;
	s10 =	sadd.s32 s9, s4;
	s23 =	sadd.s32 $0x1F40, s9  }
0xb: {  	s17 =	sadd.s32 $0x3E80, s9;
	s18 =	sadd.s32 $0x5DC0, s9;
	s19 =	sadd.s32 $0x7D00, s9  }
0xc: {  	s9 =	sadd.s32 s9, s0;
	s20 =	smax.u32 s7, $0x1;
	s7 =	simm.s32 $0x0  }
0xd: {  	s2 =	sshrl.u32 s2, $0x3;
	s8 =	sadd.s32 s6, s22;
	s11 =	sadd.s32 s23, s4  }
0xe: {  	s12 =	sadd.s32 s17, s4;
	s13 =	sadd.s32 s18, s4;
	s9 =	sshrl.u32 s9, $0x3  }
0xf: {  	s24 =	sadd.s32 s0, s17;
	s25 =	sadd.s32 s0, s18;
	s22 =	simm.s32 $0x6  }
0x10: {  	s2 =	sadd.s32 s2, s1;
	s1 =	sadd.s32 $0x28E00, s1;
	[dreg:$0x7] =	wrdreg s8  }
0x11: {  	s8 =	sadd.s32 s0, s23;
	s0 =	sadd.s32 s0, s19;
	s26 =	sshrl.u32 s25, $0x3  }
0x12: {  	s23 =	sshrl.u32 s15, $0x3;
	s25 =	simm.s32 $0x80;
	s14 =	sadd.s32 $0x1A00, s2  }
0x13: {  	s2 =	sadd.s32 $0xB640, s2;
	s8 =	sshrl.u32 s8, $0x3;
	s9 =	sadd.s32 s1, s9  }
0x14: {  	s0 =	sshrl.u32 s0, $0x3;
	s18 =	sadd.s32 s1, s26;
	[dreg:$0x5] =	wrdreg s14  }
0x15: {  	s26 =	simm.s32 $0x6E20;
	[dreg:$0x6] =	wrdreg s2;
	s14 =	sadd.s32 s19, s4  }
0x16: {  	[dreg:$0x8] =	wrdreg s9;
	s16 =	sadd.s32 s1, s8;
	s8 =	sshrl.u32 s24, $0x3  }
0x17: {  	s19 =	sadd.s32 s1, s0;
	s24 =	simm.s32 $0x4E20;
	s2 =	simm.s32 $0x3  }
0x18: {  	s0 =	simm.s32 $0x5;
	s17 =	sadd.s32 s1, s8;
	s1 =	simm.s32 $0x4  }
.LBB2_1:
0x19: {  	s8 =	rddreg [dreg:$0x5]  }
0x1a: {  	[tilespmem:s5], [sflag:$0x7] =	stream.linear.gather [hbm4b:s8+s5], $0x2710, $0x38;
	[tilespmem:$0x1E6E0] =	vst v63  }
0x1b: {  	_ =	swait.ge [sflag:s21], $0x2710  }
0x1c: {  	[sflag:s21] =	ssyncset.done $0x0  }
0x1d: {  	s9 =	simm.s32 $0x2710;
	s15 =	rddreg [dreg:$0x6];
	[sflag:s21] =	ssyncadd.s32 $0xFFFFD8F0  }
0x1e: {  	[tilespmem:s9], [sflag:$0x7] =	stream.linear.gather [hbm4b:s15+s5], $0x2710, $0x38;
	[tilespmem:$0x1E6E0] =	vst v63  }
0x1f: {  	s9 =	stileid.u32;
	_ =	swait.ge [sflag:s21], $0x2710  }
0x20: {  	s8 =	sshll.u32 s9, $0x6;
	[sflag:s21] =	ssyncset.done $0x0  }
0x21: {  	s8 =	sor.u32 $0x1C07, s8;
	s15 =	rddreg [dreg:$0x7];
	[sflag:s21] =	ssyncadd.s32 $0xFFFFD8F0  }
0x22: {  	[spmem:s23], [sflag:s8] =	dma.local [hbm:s15], $0x1388  }
0x23: {  	_ =	swait.ge [sflag:s21], $0x1388  }
0x24: {  	[sflag:s21] =	ssyncset.done $0x0  }
0x25: {  	[sflag:s21] =	ssyncadd.s32 $0xFFFFEC78  }
0x26: {  	s15 =	rddreg [dreg:$0x1]  }
0x27: {  	[tilespmem:s24], [sflag:$0x7] =	stream.linear.gather [hbm4b:s15+s5], $0x1F40, $0x38;
	[tilespmem:$0x1E6E0] =	vst v63  }
0x28: {  	_ =	swait.ge [sflag:s21], $0x1F40  }
0x29: {  	[sflag:s21] =	ssyncset.done $0x0  }
0x2a: {  	[sflag:s21] =	ssyncadd.s32 $0xFFFFE0C0  }
0x2b: {  	[spmem:s10] =	stream.linear.scatter [tilespmem:s24], [sflag:$0x7], $0x1F40, $0x38;
	[tilespmem:$0x1E6E0] =	vst v63  }
0x2c: {  	_ =	swait.ge [sflag:s21], $0x1F40  }
0x2d: {  	[sflag:s21] =	ssyncset.done $0x0  }
0x2e: {  	[sflag:s21] =	ssyncadd.s32 $0xFFFFE0C0  }
0x2f: {  	[spmem:s11] =	stream.linear.scatter [tilespmem:s24], [sflag:$0x7], $0x1F40, $0x38;
	[tilespmem:$0x1E6E0] =	vst v63  }
0x30: {  	_ =	swait.ge [sflag:s21], $0x1F40  }
0x31: {  	[sflag:s21] =	ssyncset.done $0x0  }
0x32: {  	[sflag:s21] =	ssyncadd.s32 $0xFFFFE0C0  }
0x33: {  	[spmem:s12] =	stream.linear.scatter [tilespmem:s24], [sflag:$0x7], $0x1F40, $0x38;
	[tilespmem:$0x1E6E0] =	vst v63  }
0x34: {  	_ =	swait.ge [sflag:s21], $0x1F40  }
0x35: {  	[sflag:s21] =	ssyncset.done $0x0  }
0x36: {  	[sflag:s21] =	ssyncadd.s32 $0xFFFFE0C0  }
0x37: {  	[spmem:s13] =	stream.linear.scatter [tilespmem:s24], [sflag:$0x7], $0x1F40, $0x38;
	[tilespmem:$0x1E6E0] =	vst v63  }
0x38: {  	_ =	swait.ge [sflag:s21], $0x1F40  }
0x39: {  	[sflag:s21] =	ssyncset.done $0x0  }
0x3a: {  	[sflag:s21] =	ssyncadd.s32 $0xFFFFE0C0  }
0x3b: {  	[spmem:s14] =	stream.linear.scatter [tilespmem:s24], [sflag:$0x7], $0x1F40, $0x38;
	[tilespmem:$0x1E6E0] =	vst v63  }
0x3c: {  	_ =	swait.ge [sflag:s21], $0x1F40  }
0x3d: {  	[sflag:s21] =	ssyncset.done $0x0  }
0x3e: {  	[sflag:s21] =	ssyncadd.s32 $0xFFFFE0C0  }
0x3f: {  	[bflag:$0x0] =	sbarrier.arrive $0xFFFF  }
0x40: {  	[tilespmem:s24], [sflag:$0x1] =	stream.indirect.gather [spmem:s3], $0x40, s5, s25, $0xb8;
	[tilespmem:$0x1E6E0] =	vst v63  }
0x41: {  	_ = 	snop  }
0x42: {  	[tilespmem:s26], [sflag:$0x2] =	stream.indirect.gather [hbm4b:s6+s25], $0x40, s25, s25, $0xb8;
	[tilespmem:$0x1E6E0] =	vst v63  }
0x43: {  	s9 =	simm.s32 $0x100  }
0x44: {  	[tilespmem:s29], [sflag:$0x3] =	stream.indirect.gather [hbm4b:s6+s25], $0x40, s9, s25, $0xb8;
	[tilespmem:$0x1E6E0] =	vst v63  }
0x45: {  	_ =	swait.ge [sflag:s30], $0x2000  }
0x46: {  	[sflag:s30] =	ssyncset.done $0x0  }
0x47: {  	s15 =	simm.s32 $0x2710;
	[sflag:s30] =	ssyncadd.s32 $0xFFFFE000  }
0x48: {  	[spmem:s4] =	stream.indirect.scatter.add.f32 [tilespmem:s24], [sflag:$0x4], $0x40, s15, s25, $0xb8;
	[tilespmem:$0x1E6E0] =	vst v63  }
0x49: {  	_ =	swait.ge [sflag:s31], $0x2000  }
0x4a: {  	[sflag:s31] =	ssyncset.done $0x0  }
0x4b: {  	s9 =	simm.s32 $0x2790;
	[sflag:s31] =	ssyncadd.s32 $0xFFFFE000  }
0x4c: {  	[spmem:s4] =	stream.indirect.scatter.add.f32 [tilespmem:s26], [sflag:$0x5], $0x40, s9, s25, $0xb8;
	[tilespmem:$0x1E6E0] =	vst v63  }
0x4d: {  	_ =	swait.ge [sflag:s2], $0x2000  }
0x4e: {  	[sflag:s2] =	ssyncset.done $0x0  }
0x4f: {  	s15 =	simm.s32 $0x2810;
	[sflag:s2] =	ssyncadd.s32 $0xFFFFE000  }
0x50: {  	[spmem:s4] =	stream.indirect.scatter.add.f32 [tilespmem:s29], [sflag:$0x6], $0x40, s15, s25, $0xb8;
	[tilespmem:$0x1E6E0] =	vst v63  }
0x51: {  	_ =	swait.ge [sflag:s1], $0x2000  }
0x52: {  	[sflag:s1] =	ssyncset.done $0x0  }
0x53: {  	s9 =	simm.s32 $0x180;
	[sflag:s1] =	ssyncadd.s32 $0xFFFFE000  }
0x54: {  	[tilespmem:s24], [sflag:$0x1] =	stream.indirect.gather [spmem:s3], $0x40, s9, s25, $0xb8;
	[tilespmem:$0x1E6E0] =	vst v63  }
0x55: {  	_ =	swait.ge [sflag:s0], $0x2000  }
0x56: {  	[sflag:s0] =	ssyncset.done $0x0  }
0x57: {  	s15 =	simm.s32 $0x200;
	[sflag:s0] =	ssyncadd.s32 $0xFFFFE000  }
0x58: {  	[tilespmem:s26], [sflag:$0x2] =	stream.indirect.gather [hbm4b:s6+s25], $0x40, s15, s25, $0xb8;
	[tilespmem:$0x1E6E0] =	vst v63  }
0x59: {  	_ =	swait.ge [sflag:s22], $0x2000  }
0x5a: {  	[sflag:s22] =	ssyncset.done $0x0  }
0x5b: {  	s8 =	simm.s32 $0x600;
	s9 =	simm.s32 $0x280;
	[sflag:s22] =	ssyncadd.s32 $0xFFFFE000  }
.LBB2_2:
0x5c: {  	[tilespmem:s29], [sflag:$0x3] =	stream.indirect.gather [hbm4b:s6+s25], $0x40, s9, s25, $0xb8;
	[tilespmem:$0x1E6E0] =	vst v63  }
0x5d: {  	s9 =	smov.u32 s8  }
0x5e: {  	p0 =	sne.s32 s8, $0x9000;
	s8 =	sadd.s32 $0x600, s8;
	_ =	swait.ge [sflag:s30], $0x2000  }
0x5f: {  	s9 =	sshra.s32 s9, $0x2;
	[sflag:s30] =	ssyncset.done $0x0  }
0x60: {  	s15 =	sadd.s32 $0x2710, s9;
	[sflag:s30] =	ssyncadd.s32 $0xFFFFE000  }
0x61: {  	[spmem:s4] =	stream.indirect.scatter.add.f32 [tilespmem:s24], [sflag:$0x4], $0x40, s15, s25, $0xb8;
	[tilespmem:$0x1E6E0] =	vst v63  }
0x62: {  	_ =	swait.ge [sflag:s31], $0x2000  }
0x63: {  	[sflag:s31] =	ssyncset.done $0x0  }
0x64: {  	s15 =	sadd.s32 $0x2790, s9;
	[sflag:s31] =	ssyncadd.s32 $0xFFFFE000  }
0x65: {  	[spmem:s4] =	stream.indirect.scatter.add.f32 [tilespmem:s26], [sflag:$0x5], $0x40, s15, s25, $0xb8;
	[tilespmem:$0x1E6E0] =	vst v63  }
0x66: {  	_ =	swait.ge [sflag:s2], $0x2000  }
0x67: {  	[sflag:s2] =	ssyncset.done $0x0  }
0x68: {  	s15 =	sadd.s32 $0x2810, s9;
	[sflag:s2] =	ssyncadd.s32 $0xFFFFE000  }
0x69: {  	[spmem:s4] =	stream.indirect.scatter.add.f32 [tilespmem:s29], [sflag:$0x6], $0x40, s15, s25, $0xb8;
	[tilespmem:$0x1E6E0] =	vst v63  }
0x6a: {  	_ =	swait.ge [sflag:s1], $0x2000  }
0x6b: {  	[sflag:s1] =	ssyncset.done $0x0  }
0x6c: {  	s15 =	sadd.s32 $0x180, s9;
	[sflag:s1] =	ssyncadd.s32 $0xFFFFE000  }
0x6d: {  	[tilespmem:s24], [sflag:$0x1] =	stream.indirect.gather [spmem:s3], $0x40, s15, s25, $0xb8;
	[tilespmem:$0x1E6E0] =	vst v63  }
0x6e: {  	_ =	swait.ge [sflag:s0], $0x2000  }
0x6f: {  	[sflag:s0] =	ssyncset.done $0x0  }
.Ltmp0:
0x70: {  	s15 =	sadd.s32 $0x200, s9;
	[sflag:s0] =	ssyncadd.s32 $0xFFFFE000;
	(pc) =	sbr.rel @p0 .LBB2_2-.Ltmp0, $4  }
0x71: {  	[tilespmem:s26], [sflag:$0x2] =	stream.indirect.gather [hbm4b:s6+s25], $0x40, s15, s25, $0xb8;
	[tilespmem:$0x1E6E0] =	vst v63  }
0x72: {  	_ =	swait.ge [sflag:s22], $0x2000  }
0x73: {  	[sflag:s22] =	ssyncset.done $0x0  }
0x74: {  	s9 =	sadd.s32 $0x280, s9;
	[sflag:s22] =	ssyncadd.s32 $0xFFFFE000  }
0x75: {  	[tilespmem:s29], [sflag:$0x3] =	stream.indirect.gather [hbm4b:s6+s25], $0x40, s9, s25, $0xb8;
	[tilespmem:$0x1E6E0] =	vst v63  }
0x76: {  	_ =	swait.ge [sflag:s30], $0x2000  }
0x77: {  	[sflag:s30] =	ssyncset.done $0x0  }
0x78: {  	s8 =	simm.s32 $0x4C90;
	[sflag:s30] =	ssyncadd.s32 $0xFFFFE000  }
0x79: {  	[spmem:s4] =	stream.indirect.scatter.add.f32 [tilespmem:s24], [sflag:$0x4], $0x40, s8, s25, $0xb8;
	[tilespmem:$0x1E6E0] =	vst v63  }
0x7a: {  	_ =	swait.ge [sflag:s31], $0x2000  }
0x7b: {  	[sflag:s31] =	ssyncset.done $0x0  }
0x7c: {  	s15 =	simm.s32 $0x4D10;
	[sflag:s31] =	ssyncadd.s32 $0xFFFFE000  }
0x7d: {  	[spmem:s4] =	stream.indirect.scatter.add.f32 [tilespmem:s26], [sflag:$0x5], $0x40, s15, s25, $0xb8;
	[tilespmem:$0x1E6E0] =	vst v63  }
0x7e: {  	_ =	swait.ge [sflag:s2], $0x2000  }
0x7f: {  	[sflag:s2] =	ssyncset.done $0x0  }
0x80: {  	s9 =	simm.s32 $0x4D90;
	[sflag:s2] =	ssyncadd.s32 $0xFFFFE000  }
0x81: {  	[spmem:s4] =	stream.indirect.scatter.add.f32 [tilespmem:s29], [sflag:$0x6], $0x40, s9, s25, $0xb8;
	[tilespmem:$0x1E6E0] =	vst v63  }
0x82: {  	_ =	swait.ge [sflag:s1], $0x2000  }
0x83: {  	[sflag:s1] =	ssyncset.done $0x0  }
0x84: {  	[sflag:s1] =	ssyncadd.s32 $0xFFFFE000  }
0x85: {  	_ =	swait.ge [sflag:s0], $0x2000  }
0x86: {  	[sflag:s0] =	ssyncset.done $0x0  }
0x87: {  	[sflag:s0] =	ssyncadd.s32 $0xFFFFE000  }
0x88: {  	_ =	swait.ge [sflag:s22], $0x2000  }
0x89: {  	[sflag:s22] =	ssyncset.done $0x0  }
0x8a: {  	s15 =	simm.s32 $0x2700;
	[sflag:s22] =	ssyncadd.s32 $0xFFFFE000  }
0x8b: {  	[tilespmem:s24], [sflag:$0x7] =	stream.indirect.gather [spmem:s3], $0x40, s15, s28, $0xb8;
	[tilespmem:$0x1E6E0] =	vst v63  }
0x8c: {  	_ =	swait.ge [sflag:s21], $0x400  }
0x8d: {  	[sflag:s21] =	ssyncset.done $0x0  }
0x8e: {  	s9 =	simm.s32 $0x4E10;
	[sflag:s21] =	ssyncadd.s32 $0xFFFFFC00  }
0x8f: {  	[spmem:s4] =	stream.indirect.scatter.add.f32 [tilespmem:s24], [sflag:$0x7], $0x40, s9, s28, $0xb8;
	[tilespmem:$0x1E6E0] =	vst v63  }
0x90: {  	_ =	swait.ge [sflag:s21], $0x400  }
0x91: {  	[sflag:s21] =	ssyncset.done $0x0  }
0x92: {  	[sflag:s21] =	ssyncadd.s32 $0xFFFFFC00  }
0x93: {  	[bflag:$0x0] =	sbarrier.arrive $0xFFFF  }
0x94: {  	[tilespmem:s24], [sflag:$0x7] =	stream.linear.gather [spmem:s10], $0x1F40, $0x38;
	[tilespmem:$0x1E6E0] =	vst v63  }
0x95: {  	_ =	swait.ge [sflag:s21], $0x1F40  }
0x96: {  	[sflag:s21] =	ssyncset.done $0x0  }
0x97: {  	s15 =	rddreg [dreg:$0x8];
	[sflag:s21] =	ssyncadd.s32 $0xFFFFE0C0  }
0x98: {  	[hbm4b:s15+s5] =	stream.linear.scatter [tilespmem:s24], [sflag:$0x7], $0x1F40, $0x38;
	[tilespmem:$0x1E6E0] =	vst v63  }
0x99: {  	_ =	swait.ge [sflag:s21], $0x1F40  }
0x9a: {  	[sflag:s21] =	ssyncset.done $0x0  }
0x9b: {  	[sflag:s21] =	ssyncadd.s32 $0xFFFFE0C0  }
0x9c: {  	[tilespmem:s26], [sflag:$0x7] =	stream.linear.gather [spmem:s11], $0x1F40, $0x38;
	[tilespmem:$0x1E6E0] =	vst v63  }
0x9d: {  	_ =	swait.ge [sflag:s21], $0x1F40  }
0x9e: {  	[sflag:s21] =	ssyncset.done $0x0  }
0x9f: {  	[sflag:s21] =	ssyncadd.s32 $0xFFFFE0C0  }
0xa0: {  	[hbm4b:s16+s5] =	stream.linear.scatter [tilespmem:s26], [sflag:$0x7], $0x1F40, $0x38;
	[tilespmem:$0x1E6E0] =	vst v63  }
0xa1: {  	_ =	swait.ge [sflag:s21], $0x1F40  }
0xa2: {  	[sflag:s21] =	ssyncset.done $0x0  }
0xa3: {  	[sflag:s21] =	ssyncadd.s32 $0xFFFFE0C0  }
0xa4: {  	[tilespmem:s29], [sflag:$0x7] =	stream.linear.gather [spmem:s12], $0x1F40, $0x38;
	[tilespmem:$0x1E6E0] =	vst v63  }
0xa5: {  	_ =	swait.ge [sflag:s21], $0x1F40  }
0xa6: {  	[sflag:s21] =	ssyncset.done $0x0  }
0xa7: {  	[sflag:s21] =	ssyncadd.s32 $0xFFFFE0C0  }
0xa8: {  	[hbm4b:s17+s5] =	stream.linear.scatter [tilespmem:s29], [sflag:$0x7], $0x1F40, $0x38;
	[tilespmem:$0x1E6E0] =	vst v63  }
0xa9: {  	_ =	swait.ge [sflag:s21], $0x1F40  }
0xaa: {  	[sflag:s21] =	ssyncset.done $0x0  }
0xab: {  	[sflag:s21] =	ssyncadd.s32 $0xFFFFE0C0  }
0xac: {  	[tilespmem:s24], [sflag:$0x7] =	stream.linear.gather [spmem:s13], $0x1F40, $0x38;
	[tilespmem:$0x1E6E0] =	vst v63  }
0xad: {  	_ =	swait.ge [sflag:s21], $0x1F40  }
0xae: {  	[sflag:s21] =	ssyncset.done $0x0  }
0xaf: {  	[sflag:s21] =	ssyncadd.s32 $0xFFFFE0C0  }
0xb0: {  	[hbm4b:s18+s5] =	stream.linear.scatter [tilespmem:s24], [sflag:$0x7], $0x1F40, $0x38;
	[tilespmem:$0x1E6E0] =	vst v63  }
0xb1: {  	_ =	swait.ge [sflag:s21], $0x1F40  }
0xb2: {  	[sflag:s21] =	ssyncset.done $0x0  }
0xb3: {  	[sflag:s21] =	ssyncadd.s32 $0xFFFFE0C0  }
0xb4: {  	[tilespmem:s26], [sflag:$0x7] =	stream.linear.gather [spmem:s14], $0x1F40, $0x38;
	[tilespmem:$0x1E6E0] =	vst v63  }
0xb5: {  	s7 =	sadd.s32 $0x1, s7;
	_ =	swait.ge [sflag:s21], $0x1F40  }
0xb6: {  	p0 =	sne.s32 s7, s20;
	[sflag:s21] =	ssyncset.done $0x0  }
.Ltmp1:
0xb7: {  	[sflag:s21] =	ssyncadd.s32 $0xFFFFE0C0;
	(pc) =	sbr.rel @p0 .LBB2_1-.Ltmp1, $4  }
0xb8: {  	[hbm4b:s19+s5] =	stream.linear.scatter [tilespmem:s26], [sflag:$0x7], $0x1F40, $0x38;
	[tilespmem:$0x1E6E0] =	vst v63  }
0xb9: {  	_ =	swait.ge [sflag:s21], $0x1F40  }
0xba: {  	[sflag:s21] =	ssyncset.done $0x0  }
0xbb: {  	[sflag:s21] =	ssyncadd.s32 $0xFFFFE0C0  }
0xbc: {  	_ =	sfence.sel $0x180000  }
0xbd: {  	[bflag:$0x0] =	sbarrier.arrive $0xFFFF  }
0xbe: {  	_ =	strace $0x9000004A  }
0xbf: {  	s0 =	stileid.u32;
	[bflag:$0x2] =	sbarrier.arrive $0xFFFF  }
0xc0: {  	p0 =	sne.s32 s0, $0x0;
	s0 =	rddreg [dreg:$0x4]  }
0xc1: {  	s0 =	sadd.s32 @!p0 $0x100000, s0  }
0xc2: {  	[sflag:s0] =	ssyncadd.tile.s32 @!p0 $0x1;
	_ =	shalt  }
.Lfunc_end2:
_tile_overlayer_lowered:
.L_overlay_start_2:
0xc3: {  	(tag) =	ssettag $0x2  }
0xc4: {  	s0 =	rddreg [dreg:$0x0];
	s2 =	stileid.u32  }
0xc5: {  	s1 =	rddreg [dreg:$0x1];
	p0 =	sne.s32 s2, $0x0  }
0xc6: {  	s3 =	rddreg [dreg:$0x2];
	[bflag:$0x3] =	sbarrier.arrive $0xFFFF;
	s2 =	simm.s32 @!p0 $0x1C07  }
0xc7: {  	[timem:s3], [sflag:s2] =	dma.local @!p0 [hbm:s0], s1  }
0xc8: {  	s0 =	simm.s32 @!p0 $0x7  }
0xc9: {  	_ =	swait.ge @!p0 [sflag:s0], s1  }
0xca: {  	s1 =	ssub.s32 @!p0 $0x0, s1;
	[sflag:s0] =	ssyncset.done @!p0 $0x0  }
0xcb: {  	[sflag:s0] =	ssyncadd.s32 @!p0 s1  }
0xcc: {  	[bflag:$0x3] =	sbarrier.arrive $0xFFFF  }
0xcd: {  	_ =	shalt  }

</sc_bundles>
